<compile_context>
chip_gen: v7x
topology: tpu7x:2x2x1
jax: 0.10.2.dev20260603
libtpu: 0.0.44.dev20260713+nightly
codegen_flags: <defaults>
</compile_context>

<pallas_src>
import dataclasses

import jax
import jax.numpy as jnp
from jax import lax
from jax.experimental import pallas as pl
from jax.experimental.pallas import tpu as pltpu
from jax.experimental.pallas import tpu_sc as plsc

N = 10000
D = 128
DZ = 32
NC, NS = 2, 16
NW = NC * NS
K = 128
N_PAD = 10112
STRIPE = N_PAD // NS


def _sc_mesh():
    return plsc.VectorSubcoreMesh(
        core_axis_name="c", subcore_axis_name="s", num_cores=NC, num_subcores=NS
    )


def _edge_scatter(hn, srcs, dsts, zeros_d):
    n_chunks = srcs.shape[1]
    half = n_chunks // 2

    scratch = [
        pltpu.VMEM((half, K), jnp.int32),
        pltpu.VMEM((half, K), jnp.int32),
        pltpu.VMEM((K, D), jnp.float32),
        pltpu.VMEM((K, D), jnp.float32),
        pltpu.VMEM_SHARED((N_PAD, D), jnp.float32),
        pltpu.SemaphoreType.DMA,
        pltpu.SemaphoreType.DMA,
        pltpu.SemaphoreType.DMA,
    ]

    def body(hn_hbm, src_hbm, dst_hbm, zd_hbm, agg_out,
             src_v, dst_v, rows_a, rows_b, agg_sh, sem_a, sem_b, sem_z):
        cid = lax.axis_index("c")
        sid = lax.axis_index("s")
        wid = sid * NC + cid
        r0 = sid * STRIPE

        pltpu.async_copy(zd_hbm.at[pl.ds(r0, STRIPE)],
                         agg_sh.at[pl.ds(r0, STRIPE)], sem_z)
        pltpu.sync_copy(src_hbm.at[wid, pl.ds(0, half)], src_v)
        pltpu.sync_copy(dst_hbm.at[wid, pl.ds(0, half)], dst_v)
        pltpu.make_async_copy(zd_hbm.at[pl.ds(r0, STRIPE)],
                              agg_sh.at[pl.ds(r0, STRIPE)], sem_z).wait()
        plsc.subcore_barrier()

        def start(j, buf, sem):
            pltpu.async_copy(hn_hbm.at[src_v.at[j]], buf, sem)

        def wait(buf, sem):
            pltpu.make_async_copy(hn_hbm.at[src_v.at[0]], buf, sem).wait()

        def scat(j, buf):
            pltpu.sync_copy(buf, agg_sh.at[dst_v.at[j]], add=True)

        for h in range(2):
            if h:
                pltpu.sync_copy(src_hbm.at[wid, pl.ds(half, half)], src_v)
                pltpu.sync_copy(dst_hbm.at[wid, pl.ds(half, half)], dst_v)
            start(0, rows_a, sem_a)

            @pl.loop(0, half, step=2)
            def _(j):
                start(j + 1, rows_b, sem_b)
                wait(rows_a, sem_a)
                scat(j, rows_a)

                @pl.when(j + 2 < half)
                def _():
                    start(j + 2, rows_a, sem_a)

                wait(rows_b, sem_b)
                scat(j + 1, rows_b)

        plsc.subcore_barrier()
        pltpu.sync_copy(agg_sh.at[pl.ds(r0, STRIPE)],
                        agg_out.at[cid, pl.ds(r0, STRIPE)])

    run = pl.kernel(body,
                    out_type=jax.ShapeDtypeStruct((NC, N_PAD, D), jnp.float32),
                    mesh=_sc_mesh(), scratch_types=scratch)
    return run(hn, srcs, dsts, zeros_d)


def _edge_degree(dsts, zeros_flat):
    n_chunks = dsts.shape[1]

    scratch = [
        pltpu.VMEM((n_chunks, K), jnp.int32),
        pltpu.VMEM((N_PAD // 128, 128), jnp.float32),
    ]

    def body(dst_hbm, zf_hbm, hist_out, dst_v, hist_v):
        cid = lax.axis_index("c")
        sid = lax.axis_index("s")
        wid = sid * NC + cid
        pltpu.sync_copy(dst_hbm.at[wid], dst_v)
        pltpu.sync_copy(zf_hbm, hist_v)

        @pl.loop(0, n_chunks)
        def _(j):
            for t in range(K // 16):
                idx = dst_v[j, pl.ds(t * 16, 16)]
                cnt, last = plsc.scan_count(idx)
                plsc.addupdate_scatter(
                    hist_v, [idx >> 7, idx & 127],
                    cnt.astype(jnp.float32), mask=last)

        pltpu.sync_copy(hist_v, hist_out.at[wid])

    cp = pltpu.CompilerParams()
    if "needs_layout_passes" in pltpu.CompilerParams.__dataclass_fields__:
        cp = dataclasses.replace(cp, needs_layout_passes=False)
    run = pl.kernel(
        body,
        out_type=jax.ShapeDtypeStruct((NW, N_PAD // 128, 128), jnp.float32),
        mesh=_sc_mesh(), scratch_types=scratch, compiler_params=cp)
    return run(dsts, zeros_flat)


def _tc_in(x, wn, ws, b):
    def body(x_ref, wn_ref, ws_ref, b_ref, hn_ref, s_ref):
        h = jnp.log(x_ref[...] + 1.0)
        hn_ref[...] = jnp.dot(h, wn_ref[...], preferred_element_type=jnp.float32)
        s_ref[...] = jnp.dot(h, ws_ref[...],
                             preferred_element_type=jnp.float32) + b_ref[...]

    return pl.pallas_call(
        body,
        out_shape=(jax.ShapeDtypeStruct((N, D), jnp.float32),
                   jax.ShapeDtypeStruct((N, D), jnp.float32)),
    )(x, wn, ws, b)


def _finish_layer(s_ref, aggp_ref, inv_col):
    agg = aggp_ref[0, :N, :] + aggp_ref[1, :N, :]
    pre = jnp.maximum(s_ref[...] + agg * inv_col, 0.0)
    nrm = jnp.sqrt(jnp.sum(pre * pre, axis=1, keepdims=True))
    return pre / jnp.maximum(nrm, 1e-12)


def _deg_col(degp):
    def body(degp_ref, inv_ref):
        degsum = jnp.sum(degp_ref[...], axis=0)
        dt = jnp.transpose(degsum)
        col = jnp.concatenate([dt[:, c:c + 1] for c in range(N_PAD // 128)],
                              axis=0)
        inv_ref[...] = 1.0 / jnp.maximum(col[:N], 1.0)

    return pl.pallas_call(
        body, out_shape=jax.ShapeDtypeStruct((N, 1), jnp.float32))(degp)


def _tc_mid(s0, aggp, inv, wn, ws, b):
    def body(s0_ref, aggp_ref, inv_ref, wn_ref, ws_ref, b_ref, hn_ref, s_ref):
        h1 = _finish_layer(s0_ref, aggp_ref, inv_ref[...])
        hn_ref[...] = jnp.dot(h1, wn_ref[...], preferred_element_type=jnp.float32)
        s_ref[...] = jnp.dot(h1, ws_ref[...],
                             preferred_element_type=jnp.float32) + b_ref[...]

    return pl.pallas_call(
        body,
        out_shape=(jax.ShapeDtypeStruct((N, D), jnp.float32),
                   jax.ShapeDtypeStruct((N, D), jnp.float32)),
    )(s0, aggp, inv, wn, ws, b)


def _tc_out(s1, aggp, inv, wmu, bmu, wvar, bvar):
    def body(s1_ref, aggp_ref, inv_ref, wmu_ref, bmu_ref, wvar_ref, bvar_ref,
             zl_ref, zs_ref):
        h2 = _finish_layer(s1_ref, aggp_ref, inv_ref[...])
        dn = (((0,), (1,)), ((), ()))
        zl_ref[...] = lax.dot_general(
            wmu_ref[...], h2, dn,
            preferred_element_type=jnp.float32) + bmu_ref[...]
        zs_ref[...] = jnp.exp(lax.dot_general(
            wvar_ref[...], h2, dn,
            preferred_element_type=jnp.float32) + bvar_ref[...]) + 1e-6

    zl_t, zs_t = pl.pallas_call(
        body,
        out_shape=(jax.ShapeDtypeStruct((DZ, N), jnp.float32),
                   jax.ShapeDtypeStruct((DZ, N), jnp.float32)),
    )(s1, aggp, inv, wmu, bmu, wvar, bvar)
    return jnp.transpose(zl_t), jnp.transpose(zs_t)


def kernel(x, edge_index, W_self0, W_neigh0, b0, W_self1, W_neigh1, b1,
           W_mu, b_mu, W_var, b_var):
    n_edges = edge_index.shape[1]
    per_w = -(-n_edges // (NW * 4 * K)) * 4 * K
    pad = per_w * NW - n_edges
    pid = jnp.arange(pad, dtype=jnp.int32)
    srcs = jnp.concatenate([edge_index[0], pid % N]).reshape(NW, per_w // K, K)
    dsts = jnp.concatenate([edge_index[1], N + (pid % (N_PAD - N))]).reshape(
        NW, per_w // K, K)
    zeros_d = jnp.zeros((N_PAD, D), jnp.float32)
    zeros_flat = jnp.zeros((N_PAD // 128, 128), jnp.float32)

    degp = _edge_degree(dsts, zeros_flat)
    hn0, s0 = _tc_in(x, W_neigh0, W_self0, b0.reshape(1, D))
    hn0 = lax.optimization_barrier((hn0, degp))[0]
    agg0 = _edge_scatter(hn0, srcs, dsts, zeros_d)
    inv = _deg_col(degp)
    hn1, s1 = _tc_mid(s0, agg0, inv, W_neigh1, W_self1, b1.reshape(1, D))
    agg1 = _edge_scatter(hn1, srcs, dsts, zeros_d)
    return _tc_out(s1, agg1, inv, W_mu, b_mu.reshape(DZ, 1),
                   W_var, b_var.reshape(DZ, 1))

# --- scband reference (transcript-rebuilt; emitter-appended) ---
"""Pipeline reference for scband-encoder-74775380623962 (READ-ONLY COPY).

The authoritative reference and input builder live on the scoring server;
editing this copy changes nothing except your own understanding.
"""

import jax, jax.numpy as jnp
import numpy as np

N_NODES = 10000
N_EDGES = 320000
D_IN, D_H, D_Z = 128, 128, 32


def _l2_normalize(h):
    # F.normalize(p=2, dim=1, eps=1e-12)
    n = jnp.linalg.norm(h, axis=1, keepdims=True)
    return h / jnp.clip(n, 1e-12)


def _sage_conv(h, src, dst, W_self, W_neigh, b):
    # DGL SAGEConv with aggregator_type='mean', activation=relu, norm=F.normalize
    m = h[src] @ W_neigh                                   # gather + project neighbor msgs
    agg = jnp.zeros((N_NODES, m.shape[1]), m.dtype).at[dst].add(m)  # scatter-add
    deg = jnp.zeros((N_NODES,), h.dtype).at[dst].add(1.0)
    agg = agg / jnp.clip(deg, 1.0)[:, None]                # mean aggregation
    out = h @ W_self + agg + b
    out = jax.nn.relu(out)
    return _l2_normalize(out)


def setup_inputs(seed: int = 0) -> dict:
    key = jax.random.key(seed)
    ks = jax.random.split(key, 12)
    x = jax.random.uniform(ks[0], (N_NODES, D_IN), jnp.float32)
    edge_index = jax.random.randint(ks[1], (2, N_EDGES), 0, N_NODES, jnp.int32)
    s_in = 1.0 / np.sqrt(D_IN)
    s_h = 1.0 / np.sqrt(D_H)
    return {
        "x": x,
        "edge_index": edge_index,
        "W_self0": jax.random.normal(ks[2], (D_IN, D_H), jnp.float32) * s_in,
        "W_neigh0": jax.random.normal(ks[3], (D_IN, D_H), jnp.float32) * s_in,
        "b0": jnp.zeros((D_H,), jnp.float32),
        "W_self1": jax.random.normal(ks[4], (D_H, D_H), jnp.float32) * s_h,
        "W_neigh1": jax.random.normal(ks[5], (D_H, D_H), jnp.float32) * s_h,
        "b1": jnp.zeros((D_H,), jnp.float32),
        "W_mu": jax.random.normal(ks[6], (D_H, D_Z), jnp.float32) * s_h,
        "b_mu": jnp.zeros((D_Z,), jnp.float32),
        "W_var": jax.random.normal(ks[7], (D_H, D_Z), jnp.float32) * s_h,
        "b_var": jnp.zeros((D_Z,), jnp.float32),
    }


def reference(x, edge_index, W_self0, W_neigh0, b0, W_self1, W_neigh1, b1, W_mu, b_mu, W_var, b_var):
    src, dst = edge_index[0], edge_index[1]
    h = jnp.log(x + 1.0)
    h = _sage_conv(h, src, dst, W_self0, W_neigh0, b0)   # layer 0 (in_feats -> n_hidden)
    h = _sage_conv(h, src, dst, W_self1, W_neigh1, b1)   # layer 1 (n_hidden -> n_hidden); feat_drop inactive in eval
    z_loc = h @ W_mu + b_mu
    z_scale = jnp.exp(h @ W_var + b_var) + 1e-6
    return (z_loc, z_scale)

if __name__ == "__main__":
    import jax
    _d = setup_inputs()
    print(jax.jit(kernel)(*tuple(_d.values())))

</pallas_src>

<mosaic_0001>
#map = affine_map<(d0, d1) -> (0, 0, 0)>
#map1 = affine_map<(d0, d1) -> (0, 0)>
module attributes {stable_mosaic.version = 14 : i64} {
  func.func @body(%arg0: i32, %arg1: i32, %arg2: memref<32x80x128xi32, #tpu.memory_space<hbm>>, %arg3: memref<79x128xf32, #tpu.memory_space<hbm>>, %arg4: memref<32x79x128xf32, #tpu.memory_space<hbm>>, %arg5: memref<80x128xi32, #tpu.memory_space<vmem>>, %arg6: memref<79x128xf32, #tpu.memory_space<vmem>>) attributes {dimension_semantics = [#tpu.dimension_semantics<core_parallel>, #tpu.dimension_semantics<subcore_parallel>], iteration_bounds = array<i64: 2, 16>, scalar_prefetch = 0 : i64, scratch_operands = 2 : i64, tpu.core_type = #tpu.core_type<sc_vector_subcore>, window_params = [{transform_indices = #map}, {transform_indices = #map1}, {transform_indices = #map}]} {
    %mul3A = arith.constant 2 : i32
    %mul3A_0 = arith.muli %arg1, %mul3A : i32
    %add3A = arith.addi %mul3A_0, %arg0 : i32
    "tpu.region"() ({
      %run_scoped3A = tpu.sem_alloc : memref<!tpu.dma_semaphore, #tpu.memory_space<semaphore_mem>>
      %dma_start3A = arith.constant 0 : i32
      %dma_start3A_5 = arith.constant 0 : i32
      %dma_start3A_6 = tpu.memref_slice %arg2[%add3A, %dma_start3A, %dma_start3A_5] : memref<32x80x128xi32, #tpu.memory_space<hbm>> -> memref<1x80x128xi32, #tpu.memory_space<hbm>>
      %dma_start3A_7 = tpu.memref_squeeze %dma_start3A_6 : memref<1x80x128xi32, #tpu.memory_space<hbm>> -> memref<80x128xi32, #tpu.memory_space<hbm>>
      %dma_start3A_8 = arith.constant 0 : i32
      %dma_start3A_9 = arith.constant 0 : i32
      %dma_start3A_10 = tpu.memref_slice %arg2[%add3A, %dma_start3A_8, %dma_start3A_9] : memref<32x80x128xi32, #tpu.memory_space<hbm>> -> memref<1x80x128xi32, #tpu.memory_space<hbm>>
      %dma_start3A_11 = tpu.memref_squeeze %dma_start3A_10 : memref<1x80x128xi32, #tpu.memory_space<hbm>> -> memref<80x128xi32, #tpu.memory_space<hbm>>
      tpu.enqueue_dma source(%dma_start3A_11 : memref<80x128xi32, #tpu.memory_space<hbm>>) target(%arg5 : memref<80x128xi32, #tpu.memory_space<vmem>>) target_semaphore(%run_scoped3A : memref<!tpu.dma_semaphore, #tpu.memory_space<semaphore_mem>>)
      %dma_wait3A = arith.constant 0 : i32
      %dma_wait3A_12 = arith.constant 0 : i32
      %dma_wait3A_13 = tpu.memref_slice %arg2[%add3A, %dma_wait3A, %dma_wait3A_12] : memref<32x80x128xi32, #tpu.memory_space<hbm>> -> memref<1x80x128xi32, #tpu.memory_space<hbm>>
      %dma_wait3A_14 = tpu.memref_squeeze %dma_wait3A_13 : memref<1x80x128xi32, #tpu.memory_space<hbm>> -> memref<80x128xi32, #tpu.memory_space<hbm>>
      %dma_wait3A_15 = arith.constant 0 : i32
      %dma_wait3A_16 = arith.constant 0 : i32
      %dma_wait3A_17 = tpu.memref_slice %arg2[%add3A, %dma_wait3A_15, %dma_wait3A_16] : memref<32x80x128xi32, #tpu.memory_space<hbm>> -> memref<1x80x128xi32, #tpu.memory_space<hbm>>
      %dma_wait3A_18 = tpu.memref_squeeze %dma_wait3A_17 : memref<1x80x128xi32, #tpu.memory_space<hbm>> -> memref<80x128xi32, #tpu.memory_space<hbm>>
      tpu.wait_dma2 semaphore(%run_scoped3A : memref<!tpu.dma_semaphore, #tpu.memory_space<semaphore_mem>>) src(%dma_wait3A_18 : memref<80x128xi32, #tpu.memory_space<hbm>>) dst(%arg5 : memref<80x128xi32, #tpu.memory_space<vmem>>)
      tpu.yield
    }) : () -> ()
    "tpu.region"() ({
      %run_scoped3A = tpu.sem_alloc : memref<!tpu.dma_semaphore, #tpu.memory_space<semaphore_mem>>
      tpu.enqueue_dma source(%arg3 : memref<79x128xf32, #tpu.memory_space<hbm>>) target(%arg6 : memref<79x128xf32, #tpu.memory_space<vmem>>) target_semaphore(%run_scoped3A : memref<!tpu.dma_semaphore, #tpu.memory_space<semaphore_mem>>)
      tpu.wait_dma2 semaphore(%run_scoped3A : memref<!tpu.dma_semaphore, #tpu.memory_space<semaphore_mem>>) src(%arg3 : memref<79x128xf32, #tpu.memory_space<hbm>>) dst(%arg6 : memref<79x128xf32, #tpu.memory_space<vmem>>)
      tpu.yield
    }) : () -> ()
    %scan3A = arith.constant 0 : i32
    %scan3A_1 = arith.constant 80 : i32
    %scan3A_2 = arith.addi %scan3A, %scan3A_1 : i32
    %scan3A_3 = arith.constant 1 : i32
    scf.for %scan3A_5 = %scan3A to %scan3A_2 step %scan3A_3  : i32 {
      %mul3A_6 = arith.constant 1 : i32
      %mul3A_7 = arith.muli %scan3A_5, %mul3A_6 : i32
      %add3A_8 = arith.constant 0 : i32
      %add3A_9 = arith.addi %add3A_8, %mul3A_7 : i32
      %get3A = arith.index_cast %add3A_9 : i32 to index
      %get3A_10 = arith.constant 0 : index
      %get3A_11 = tpu.vector_load %arg5[%get3A, %get3A_10] {strides = array<i32>} : memref<80x128xi32, #tpu.memory_space<vmem>>, vector<16xi32>,
      %broadcast_in_dim3A = arith.constant true
      %broadcast_in_dim3A_12 = vector.broadcast %broadcast_in_dim3A : i1 to vector<16xi1>
      %unique3A, %unique3A_13 = tpu.scan_count mask(%broadcast_in_dim3A_12 : vector<16xi1>) value(%get3A_11 : vector<16xi32>) : vector<16xi1>, vector<16xi32>
      %shift_right_arithmetic3A = arith.constant 7 : i32
      %shift_right_arithmetic3A_14 = vector.broadcast %shift_right_arithmetic3A : i32 to vector<16xi32>
      %shift_right_arithmetic3A_15 = arith.shrsi %get3A_11, %shift_right_arithmetic3A_14 : vector<16xi32>
      %and3A = arith.constant 127 : i32
      %and3A_16 = vector.broadcast %and3A : i32 to vector<16xi32>
      %and3A_17 = arith.andi %get3A_11, %and3A_16 : vector<16xi32>
      %convert_element_type3A = arith.sitofp %unique3A_13 : vector<16xi32> to vector<16xf32>
      tpu.vector_store_idx %arg6[%shift_right_arithmetic3A_15, %and3A_17], %convert_element_type3A masked %unique3A {add = true} : memref<79x128xf32, #tpu.memory_space<vmem>>[vector<16xi32>, vector<16xi32>], vector<16xf32>, vector<16xi1>
      %get3A_18 = arith.index_cast %add3A_9 : i32 to index
      %get3A_19 = arith.constant 16 : index
      %get3A_20 = tpu.vector_load %arg5[%get3A_18, %get3A_19] {strides = array<i32>} : memref<80x128xi32, #tpu.memory_space<vmem>>, vector<16xi32>,
      %broadcast_in_dim3A_21 = arith.constant true
      %broadcast_in_dim3A_22 = vector.broadcast %broadcast_in_dim3A_21 : i1 to vector<16xi1>
      %unique3A_23, %unique3A_24 = tpu.scan_count mask(%broadcast_in_dim3A_22 : vector<16xi1>) value(%get3A_20 : vector<16xi32>) : vector<16xi1>, vector<16xi32>
      %shift_right_arithmetic3A_25 = arith.constant 7 : i32
      %shift_right_arithmetic3A_26 = vector.broadcast %shift_right_arithmetic3A_25 : i32 to vector<16xi32>
      %shift_right_arithmetic3A_27 = arith.shrsi %get3A_20, %shift_right_arithmetic3A_26 : vector<16xi32>
      %and3A_28 = arith.constant 127 : i32
      %and3A_29 = vector.broadcast %and3A_28 : i32 to vector<16xi32>
      %and3A_30 = arith.andi %get3A_20, %and3A_29 : vector<16xi32>
      %convert_element_type3A_31 = arith.sitofp %unique3A_24 : vector<16xi32> to vector<16xf32>
      tpu.vector_store_idx %arg6[%shift_right_arithmetic3A_27, %and3A_30], %convert_element_type3A_31 masked %unique3A_23 {add = true} : memref<79x128xf32, #tpu.memory_space<vmem>>[vector<16xi32>, vector<16xi32>], vector<16xf32>, vector<16xi1>
      %get3A_32 = arith.index_cast %add3A_9 : i32 to index
      %get3A_33 = arith.constant 32 : index
      %get3A_34 = tpu.vector_load %arg5[%get3A_32, %get3A_33] {strides = array<i32>} : memref<80x128xi32, #tpu.memory_space<vmem>>, vector<16xi32>,
      %broadcast_in_dim3A_35 = arith.constant true
      %broadcast_in_dim3A_36 = vector.broadcast %broadcast_in_dim3A_35 : i1 to vector<16xi1>
      %unique3A_37, %unique3A_38 = tpu.scan_count mask(%broadcast_in_dim3A_36 : vector<16xi1>) value(%get3A_34 : vector<16xi32>) : vector<16xi1>, vector<16xi32>
      %shift_right_arithmetic3A_39 = arith.constant 7 : i32
      %shift_right_arithmetic3A_40 = vector.broadcast %shift_right_arithmetic3A_39 : i32 to vector<16xi32>
      %shift_right_arithmetic3A_41 = arith.shrsi %get3A_34, %shift_right_arithmetic3A_40 : vector<16xi32>
      %and3A_42 = arith.constant 127 : i32
      %and3A_43 = vector.broadcast %and3A_42 : i32 to vector<16xi32>
      %and3A_44 = arith.andi %get3A_34, %and3A_43 : vector<16xi32>
      %convert_element_type3A_45 = arith.sitofp %unique3A_38 : vector<16xi32> to vector<16xf32>
      tpu.vector_store_idx %arg6[%shift_right_arithmetic3A_41, %and3A_44], %convert_element_type3A_45 masked %unique3A_37 {add = true} : memref<79x128xf32, #tpu.memory_space<vmem>>[vector<16xi32>, vector<16xi32>], vector<16xf32>, vector<16xi1>
      %get3A_46 = arith.index_cast %add3A_9 : i32 to index
      %get3A_47 = arith.constant 48 : index
      %get3A_48 = tpu.vector_load %arg5[%get3A_46, %get3A_47] {strides = array<i32>} : memref<80x128xi32, #tpu.memory_space<vmem>>, vector<16xi32>,
      %broadcast_in_dim3A_49 = arith.constant true
      %broadcast_in_dim3A_50 = vector.broadcast %broadcast_in_dim3A_49 : i1 to vector<16xi1>
      %unique3A_51, %unique3A_52 = tpu.scan_count mask(%broadcast_in_dim3A_50 : vector<16xi1>) value(%get3A_48 : vector<16xi32>) : vector<16xi1>, vector<16xi32>
      %shift_right_arithmetic3A_53 = arith.constant 7 : i32
      %shift_right_arithmetic3A_54 = vector.broadcast %shift_right_arithmetic3A_53 : i32 to vector<16xi32>
      %shift_right_arithmetic3A_55 = arith.shrsi %get3A_48, %shift_right_arithmetic3A_54 : vector<16xi32>
      %and3A_56 = arith.constant 127 : i32
      %and3A_57 = vector.broadcast %and3A_56 : i32 to vector<16xi32>
      %and3A_58 = arith.andi %get3A_48, %and3A_57 : vector<16xi32>
      %convert_element_type3A_59 = arith.sitofp %unique3A_52 : vector<16xi32> to vector<16xf32>
      tpu.vector_store_idx %arg6[%shift_right_arithmetic3A_55, %and3A_58], %convert_element_type3A_59 masked %unique3A_51 {add = true} : memref<79x128xf32, #tpu.memory_space<vmem>>[vector<16xi32>, vector<16xi32>], vector<16xf32>, vector<16xi1>
      %get3A_60 = arith.index_cast %add3A_9 : i32 to index
      %get3A_61 = arith.constant 64 : index
      %get3A_62 = tpu.vector_load %arg5[%get3A_60, %get3A_61] {strides = array<i32>} : memref<80x128xi32, #tpu.memory_space<vmem>>, vector<16xi32>,
      %broadcast_in_dim3A_63 = arith.constant true
      %broadcast_in_dim3A_64 = vector.broadcast %broadcast_in_dim3A_63 : i1 to vector<16xi1>
      %unique3A_65, %unique3A_66 = tpu.scan_count mask(%broadcast_in_dim3A_64 : vector<16xi1>) value(%get3A_62 : vector<16xi32>) : vector<16xi1>, vector<16xi32>
      %shift_right_arithmetic3A_67 = arith.constant 7 : i32
      %shift_right_arithmetic3A_68 = vector.broadcast %shift_right_arithmetic3A_67 : i32 to vector<16xi32>
      %shift_right_arithmetic3A_69 = arith.shrsi %get3A_62, %shift_right_arithmetic3A_68 : vector<16xi32>
      %and3A_70 = arith.constant 127 : i32
      %and3A_71 = vector.broadcast %and3A_70 : i32 to vector<16xi32>
      %and3A_72 = arith.andi %get3A_62, %and3A_71 : vector<16xi32>
      %convert_element_type3A_73 = arith.sitofp %unique3A_66 : vector<16xi32> to vector<16xf32>
      tpu.vector_store_idx %arg6[%shift_right_arithmetic3A_69, %and3A_72], %convert_element_type3A_73 masked %unique3A_65 {add = true} : memref<79x128xf32, #tpu.memory_space<vmem>>[vector<16xi32>, vector<16xi32>], vector<16xf32>, vector<16xi1>
      %get3A_74 = arith.index_cast %add3A_9 : i32 to index
      %get3A_75 = arith.constant 80 : index
      %get3A_76 = tpu.vector_load %arg5[%get3A_74, %get3A_75] {strides = array<i32>} : memref<80x128xi32, #tpu.memory_space<vmem>>, vector<16xi32>,
      %broadcast_in_dim3A_77 = arith.constant true
      %broadcast_in_dim3A_78 = vector.broadcast %broadcast_in_dim3A_77 : i1 to vector<16xi1>
      %unique3A_79, %unique3A_80 = tpu.scan_count mask(%broadcast_in_dim3A_78 : vector<16xi1>) value(%get3A_76 : vector<16xi32>) : vector<16xi1>, vector<16xi32>
      %shift_right_arithmetic3A_81 = arith.constant 7 : i32
      %shift_right_arithmetic3A_82 = vector.broadcast %shift_right_arithmetic3A_81 : i32 to vector<16xi32>
      %shift_right_arithmetic3A_83 = arith.shrsi %get3A_76, %shift_right_arithmetic3A_82 : vector<16xi32>
      %and3A_84 = arith.constant 127 : i32
      %and3A_85 = vector.broadcast %and3A_84 : i32 to vector<16xi32>
      %and3A_86 = arith.andi %get3A_76, %and3A_85 : vector<16xi32>
      %convert_element_type3A_87 = arith.sitofp %unique3A_80 : vector<16xi32> to vector<16xf32>
      tpu.vector_store_idx %arg6[%shift_right_arithmetic3A_83, %and3A_86], %convert_element_type3A_87 masked %unique3A_79 {add = true} : memref<79x128xf32, #tpu.memory_space<vmem>>[vector<16xi32>, vector<16xi32>], vector<16xf32>, vector<16xi1>
      %get3A_88 = arith.index_cast %add3A_9 : i32 to index
      %get3A_89 = arith.constant 96 : index
      %get3A_90 = tpu.vector_load %arg5[%get3A_88, %get3A_89] {strides = array<i32>} : memref<80x128xi32, #tpu.memory_space<vmem>>, vector<16xi32>,
      %broadcast_in_dim3A_91 = arith.constant true
      %broadcast_in_dim3A_92 = vector.broadcast %broadcast_in_dim3A_91 : i1 to vector<16xi1>
      %unique3A_93, %unique3A_94 = tpu.scan_count mask(%broadcast_in_dim3A_92 : vector<16xi1>) value(%get3A_90 : vector<16xi32>) : vector<16xi1>, vector<16xi32>
      %shift_right_arithmetic3A_95 = arith.constant 7 : i32
      %shift_right_arithmetic3A_96 = vector.broadcast %shift_right_arithmetic3A_95 : i32 to vector<16xi32>
      %shift_right_arithmetic3A_97 = arith.shrsi %get3A_90, %shift_right_arithmetic3A_96 : vector<16xi32>
      %and3A_98 = arith.constant 127 : i32
      %and3A_99 = vector.broadcast %and3A_98 : i32 to vector<16xi32>
      %and3A_100 = arith.andi %get3A_90, %and3A_99 : vector<16xi32>
      %convert_element_type3A_101 = arith.sitofp %unique3A_94 : vector<16xi32> to vector<16xf32>
      tpu.vector_store_idx %arg6[%shift_right_arithmetic3A_97, %and3A_100], %convert_element_type3A_101 masked %unique3A_93 {add = true} : memref<79x128xf32, #tpu.memory_space<vmem>>[vector<16xi32>, vector<16xi32>], vector<16xf32>, vector<16xi1>
      %get3A_102 = arith.index_cast %add3A_9 : i32 to index
      %get3A_103 = arith.constant 112 : index
      %get3A_104 = tpu.vector_load %arg5[%get3A_102, %get3A_103] {strides = array<i32>} : memref<80x128xi32, #tpu.memory_space<vmem>>, vector<16xi32>,
      %broadcast_in_dim3A_105 = arith.constant true
      %broadcast_in_dim3A_106 = vector.broadcast %broadcast_in_dim3A_105 : i1 to vector<16xi1>
      %unique3A_107, %unique3A_108 = tpu.scan_count mask(%broadcast_in_dim3A_106 : vector<16xi1>) value(%get3A_104 : vector<16xi32>) : vector<16xi1>, vector<16xi32>
      %shift_right_arithmetic3A_109 = arith.constant 7 : i32
      %shift_right_arithmetic3A_110 = vector.broadcast %shift_right_arithmetic3A_109 : i32 to vector<16xi32>
      %shift_right_arithmetic3A_111 = arith.shrsi %get3A_104, %shift_right_arithmetic3A_110 : vector<16xi32>
      %and3A_112 = arith.constant 127 : i32
      %and3A_113 = vector.broadcast %and3A_112 : i32 to vector<16xi32>
      %and3A_114 = arith.andi %get3A_104, %and3A_113 : vector<16xi32>
      %convert_element_type3A_115 = arith.sitofp %unique3A_108 : vector<16xi32> to vector<16xf32>
      tpu.vector_store_idx %arg6[%shift_right_arithmetic3A_111, %and3A_114], %convert_element_type3A_115 masked %unique3A_107 {add = true} : memref<79x128xf32, #tpu.memory_space<vmem>>[vector<16xi32>, vector<16xi32>], vector<16xf32>, vector<16xi1>
    }
    %scan3A_4 = arith.constant 80 : i32
    "tpu.region"() ({
      %run_scoped3A = tpu.sem_alloc : memref<!tpu.dma_semaphore, #tpu.memory_space<semaphore_mem>>
      %dma_start3A = arith.constant 0 : i32
      %dma_start3A_5 = arith.constant 0 : i32
      %dma_start3A_6 = tpu.memref_slice %arg4[%add3A, %dma_start3A, %dma_start3A_5] : memref<32x79x128xf32, #tpu.memory_space<hbm>> -> memref<1x79x128xf32, #tpu.memory_space<hbm>>
      %dma_start3A_7 = tpu.memref_squeeze %dma_start3A_6 : memref<1x79x128xf32, #tpu.memory_space<hbm>> -> memref<79x128xf32, #tpu.memory_space<hbm>>
      %dma_start3A_8 = arith.constant 0 : i32
      %dma_start3A_9 = arith.constant 0 : i32
      %dma_start3A_10 = tpu.memref_slice %arg4[%add3A, %dma_start3A_8, %dma_start3A_9] : memref<32x79x128xf32, #tpu.memory_space<hbm>> -> memref<1x79x128xf32, #tpu.memory_space<hbm>>
      %dma_start3A_11 = tpu.memref_squeeze %dma_start3A_10 : memref<1x79x128xf32, #tpu.memory_space<hbm>> -> memref<79x128xf32, #tpu.memory_space<hbm>>
      tpu.enqueue_dma source(%arg6 : memref<79x128xf32, #tpu.memory_space<vmem>>) target(%dma_start3A_11 : memref<79x128xf32, #tpu.memory_space<hbm>>) target_semaphore(%run_scoped3A : memref<!tpu.dma_semaphore, #tpu.memory_space<semaphore_mem>>)
      %dma_wait3A = arith.constant 0 : i32
      %dma_wait3A_12 = arith.constant 0 : i32
      %dma_wait3A_13 = tpu.memref_slice %arg4[%add3A, %dma_wait3A, %dma_wait3A_12] : memref<32x79x128xf32, #tpu.memory_space<hbm>> -> memref<1x79x128xf32, #tpu.memory_space<hbm>>
      %dma_wait3A_14 = tpu.memref_squeeze %dma_wait3A_13 : memref<1x79x128xf32, #tpu.memory_space<hbm>> -> memref<79x128xf32, #tpu.memory_space<hbm>>
      %dma_wait3A_15 = arith.constant 0 : i32
      %dma_wait3A_16 = arith.constant 0 : i32
      %dma_wait3A_17 = tpu.memref_slice %arg4[%add3A, %dma_wait3A_15, %dma_wait3A_16] : memref<32x79x128xf32, #tpu.memory_space<hbm>> -> memref<1x79x128xf32, #tpu.memory_space<hbm>>
      %dma_wait3A_18 = tpu.memref_squeeze %dma_wait3A_17 : memref<1x79x128xf32, #tpu.memory_space<hbm>> -> memref<79x128xf32, #tpu.memory_space<hbm>>
      tpu.wait_dma2 semaphore(%run_scoped3A : memref<!tpu.dma_semaphore, #tpu.memory_space<semaphore_mem>>) src(%arg6 : memref<79x128xf32, #tpu.memory_space<vmem>>) dst(%dma_wait3A_18 : memref<79x128xf32, #tpu.memory_space<hbm>>)
      tpu.yield
    }) : () -> ()
    return
  }
}

#map = affine_map<(d0, d1) -> (0, 0)>
#map1 = affine_map<(d0, d1) -> (0, 0, 0)>
module attributes {stable_mosaic.version = 14 : i64} {
  func.func @body(%arg0: i32, %arg1: i32, %arg2: memref<10000x128xf32, #tpu.memory_space<hbm>>, %arg3: memref<32x80x128xi32, #tpu.memory_space<hbm>>, %arg4: memref<32x80x128xi32, #tpu.memory_space<hbm>>, %arg5: memref<10112x128xf32, #tpu.memory_space<hbm>>, %arg6: memref<2x10112x128xf32, #tpu.memory_space<hbm>>, %arg7: memref<40x128xi32, #tpu.memory_space<vmem>>, %arg8: memref<40x128xi32, #tpu.memory_space<vmem>>, %arg9: memref<128x128xf32, #tpu.memory_space<vmem>>, %arg10: memref<128x128xf32, #tpu.memory_space<vmem>>, %arg11: memref<10112x128xf32, #tpu.memory_space<vmem_shared>>, %arg12: memref<!tpu.dma_semaphore, #tpu.memory_space<semaphore_mem>>, %arg13: memref<!tpu.dma_semaphore, #tpu.memory_space<semaphore_mem>>, %arg14: memref<!tpu.dma_semaphore, #tpu.memory_space<semaphore_mem>>) attributes {dimension_semantics = [#tpu.dimension_semantics<core_parallel>, #tpu.dimension_semantics<subcore_parallel>], iteration_bounds = array<i64: 2, 16>, scalar_prefetch = 0 : i64, scratch_operands = 8 : i64, tpu.core_type = #tpu.core_type<sc_vector_subcore>, window_params = [{transform_indices = #map}, {transform_indices = #map1}, {transform_indices = #map1}, {transform_indices = #map}, {transform_indices = #map1}]} {
    %mul3A = arith.constant 2 : i32
    %mul3A_0 = arith.muli %arg1, %mul3A : i32
    %add3A = arith.addi %mul3A_0, %arg0 : i32
    %mul3A_1 = arith.constant 632 : i32
    %mul3A_2 = arith.muli %arg1, %mul3A_1 : i32
    %dma_start3A = arith.constant 0 : i32
    %dma_start3A_3 = tpu.memref_slice %arg11[%mul3A_2, %dma_start3A] : memref<10112x128xf32, #tpu.memory_space<vmem_shared>> -> memref<632x128xf32, #tpu.memory_space<vmem_shared>>
    %dma_start3A_4 = arith.constant 0 : i32
    %dma_start3A_5 = tpu.memref_slice %arg5[%mul3A_2, %dma_start3A_4] : memref<10112x128xf32, #tpu.memory_space<hbm>> -> memref<632x128xf32, #tpu.memory_space<hbm>>
    tpu.enqueue_dma source(%dma_start3A_5 : memref<632x128xf32, #tpu.memory_space<hbm>>) target(%dma_start3A_3 : memref<632x128xf32, #tpu.memory_space<vmem_shared>>) target_semaphore(%arg14 : memref<!tpu.dma_semaphore, #tpu.memory_space<semaphore_mem>>)
    "tpu.region"() ({
      %run_scoped3A = tpu.sem_alloc : memref<!tpu.dma_semaphore, #tpu.memory_space<semaphore_mem>>
      %dma_start3A_33 = arith.constant 0 : i32
      %dma_start3A_34 = arith.constant 0 : i32
      %dma_start3A_35 = tpu.memref_slice %arg3[%add3A, %dma_start3A_33, %dma_start3A_34] : memref<32x80x128xi32, #tpu.memory_space<hbm>> -> memref<1x40x128xi32, #tpu.memory_space<hbm>>
      %dma_start3A_36 = tpu.memref_squeeze %dma_start3A_35 : memref<1x40x128xi32, #tpu.memory_space<hbm>> -> memref<40x128xi32, #tpu.memory_space<hbm>>
      %dma_start3A_37 = arith.constant 0 : i32
      %dma_start3A_38 = arith.constant 0 : i32
      %dma_start3A_39 = tpu.memref_slice %arg3[%add3A, %dma_start3A_37, %dma_start3A_38] : memref<32x80x128xi32, #tpu.memory_space<hbm>> -> memref<1x40x128xi32, #tpu.memory_space<hbm>>
      %dma_start3A_40 = tpu.memref_squeeze %dma_start3A_39 : memref<1x40x128xi32, #tpu.memory_space<hbm>> -> memref<40x128xi32, #tpu.memory_space<hbm>>
      tpu.enqueue_dma source(%dma_start3A_40 : memref<40x128xi32, #tpu.memory_space<hbm>>) target(%arg7 : memref<40x128xi32, #tpu.memory_space<vmem>>) target_semaphore(%run_scoped3A : memref<!tpu.dma_semaphore, #tpu.memory_space<semaphore_mem>>)
      %dma_wait3A_41 = arith.constant 0 : i32
      %dma_wait3A_42 = arith.constant 0 : i32
      %dma_wait3A_43 = tpu.memref_slice %arg3[%add3A, %dma_wait3A_41, %dma_wait3A_42] : memref<32x80x128xi32, #tpu.memory_space<hbm>> -> memref<1x40x128xi32, #tpu.memory_space<hbm>>
      %dma_wait3A_44 = tpu.memref_squeeze %dma_wait3A_43 : memref<1x40x128xi32, #tpu.memory_space<hbm>> -> memref<40x128xi32, #tpu.memory_space<hbm>>
      %dma_wait3A_45 = arith.constant 0 : i32
      %dma_wait3A_46 = arith.constant 0 : i32
      %dma_wait3A_47 = tpu.memref_slice %arg3[%add3A, %dma_wait3A_45, %dma_wait3A_46] : memref<32x80x128xi32, #tpu.memory_space<hbm>> -> memref<1x40x128xi32, #tpu.memory_space<hbm>>
      %dma_wait3A_48 = tpu.memref_squeeze %dma_wait3A_47 : memref<1x40x128xi32, #tpu.memory_space<hbm>> -> memref<40x128xi32, #tpu.memory_space<hbm>>
      tpu.wait_dma2 semaphore(%run_scoped3A : memref<!tpu.dma_semaphore, #tpu.memory_space<semaphore_mem>>) src(%dma_wait3A_48 : memref<40x128xi32, #tpu.memory_space<hbm>>) dst(%arg7 : memref<40x128xi32, #tpu.memory_space<vmem>>)
      tpu.yield
    }) : () -> ()
    "tpu.region"() ({
      %run_scoped3A = tpu.sem_alloc : memref<!tpu.dma_semaphore, #tpu.memory_space<semaphore_mem>>
      %dma_start3A_33 = arith.constant 0 : i32
      %dma_start3A_34 = arith.constant 0 : i32
      %dma_start3A_35 = tpu.memref_slice %arg4[%add3A, %dma_start3A_33, %dma_start3A_34] : memref<32x80x128xi32, #tpu.memory_space<hbm>> -> memref<1x40x128xi32, #tpu.memory_space<hbm>>
      %dma_start3A_36 = tpu.memref_squeeze %dma_start3A_35 : memref<1x40x128xi32, #tpu.memory_space<hbm>> -> memref<40x128xi32, #tpu.memory_space<hbm>>
      %dma_start3A_37 = arith.constant 0 : i32
      %dma_start3A_38 = arith.constant 0 : i32
      %dma_start3A_39 = tpu.memref_slice %arg4[%add3A, %dma_start3A_37, %dma_start3A_38] : memref<32x80x128xi32, #tpu.memory_space<hbm>> -> memref<1x40x128xi32, #tpu.memory_space<hbm>>
      %dma_start3A_40 = tpu.memref_squeeze %dma_start3A_39 : memref<1x40x128xi32, #tpu.memory_space<hbm>> -> memref<40x128xi32, #tpu.memory_space<hbm>>
      tpu.enqueue_dma source(%dma_start3A_40 : memref<40x128xi32, #tpu.memory_space<hbm>>) target(%arg8 : memref<40x128xi32, #tpu.memory_space<vmem>>) target_semaphore(%run_scoped3A : memref<!tpu.dma_semaphore, #tpu.memory_space<semaphore_mem>>)
      %dma_wait3A_41 = arith.constant 0 : i32
      %dma_wait3A_42 = arith.constant 0 : i32
      %dma_wait3A_43 = tpu.memref_slice %arg4[%add3A, %dma_wait3A_41, %dma_wait3A_42] : memref<32x80x128xi32, #tpu.memory_space<hbm>> -> memref<1x40x128xi32, #tpu.memory_space<hbm>>
      %dma_wait3A_44 = tpu.memref_squeeze %dma_wait3A_43 : memref<1x40x128xi32, #tpu.memory_space<hbm>> -> memref<40x128xi32, #tpu.memory_space<hbm>>
      %dma_wait3A_45 = arith.constant 0 : i32
      %dma_wait3A_46 = arith.constant 0 : i32
      %dma_wait3A_47 = tpu.memref_slice %arg4[%add3A, %dma_wait3A_45, %dma_wait3A_46] : memref<32x80x128xi32, #tpu.memory_space<hbm>> -> memref<1x40x128xi32, #tpu.memory_space<hbm>>
      %dma_wait3A_48 = tpu.memref_squeeze %dma_wait3A_47 : memref<1x40x128xi32, #tpu.memory_space<hbm>> -> memref<40x128xi32, #tpu.memory_space<hbm>>
      tpu.wait_dma2 semaphore(%run_scoped3A : memref<!tpu.dma_semaphore, #tpu.memory_space<semaphore_mem>>) src(%dma_wait3A_48 : memref<40x128xi32, #tpu.memory_space<hbm>>) dst(%arg8 : memref<40x128xi32, #tpu.memory_space<vmem>>)
      tpu.yield
    }) : () -> ()
    %dma_wait3A = arith.constant 0 : i32
    %dma_wait3A_6 = tpu.memref_slice %arg11[%mul3A_2, %dma_wait3A] : memref<10112x128xf32, #tpu.memory_space<vmem_shared>> -> memref<632x128xf32, #tpu.memory_space<vmem_shared>>
    %dma_wait3A_7 = arith.constant 0 : i32
    %dma_wait3A_8 = tpu.memref_slice %arg5[%mul3A_2, %dma_wait3A_7] : memref<10112x128xf32, #tpu.memory_space<hbm>> -> memref<632x128xf32, #tpu.memory_space<hbm>>
    tpu.wait_dma2 semaphore(%arg14 : memref<!tpu.dma_semaphore, #tpu.memory_space<semaphore_mem>>) src(%dma_wait3A_8 : memref<632x128xf32, #tpu.memory_space<hbm>>) dst(%dma_wait3A_6 : memref<632x128xf32, #tpu.memory_space<vmem_shared>>)
    %barrier3A = arith.constant 0 : index
    tpu.barrier barrier_id(%barrier3A)
    %dma_start3A_9 = arith.constant 0 : i32
    %dma_start3A_10 = arith.constant 0 : i32
    %dma_start3A_11 = tpu.memref_slice %arg7[%dma_start3A_9, %dma_start3A_10] : memref<40x128xi32, #tpu.memory_space<vmem>> -> memref<1x128xi32, #tpu.memory_space<vmem>>
    %dma_start3A_12 = tpu.memref_squeeze %dma_start3A_11 : memref<1x128xi32, #tpu.memory_space<vmem>> -> memref<128xi32, #tpu.memory_space<vmem>>
    %dma_start3A_13 = arith.constant 0 : i32
    %dma_start3A_14 = arith.constant 0 : i32
    %dma_start3A_15 = tpu.memref_slice %arg2[%dma_start3A_13, %dma_start3A_14] : memref<10000x128xf32, #tpu.memory_space<hbm>> -> memref<10000x128xf32, #tpu.memory_space<hbm>>
    tpu.enqueue_indirect_dma source(%dma_start3A_15 : memref<10000x128xf32, #tpu.memory_space<hbm>>) target(%arg9 : memref<128x128xf32, #tpu.memory_space<vmem>>) offsets(%dma_start3A_12 : memref<128xi32, #tpu.memory_space<vmem>>) semaphore(%arg12 : memref<!tpu.dma_semaphore, #tpu.memory_space<semaphore_mem>>)
    %scan3A = arith.constant 0 : i32
    %scan3A_16 = arith.constant 20 : i32
    %scan3A_17 = arith.addi %scan3A, %scan3A_16 : i32
    %scan3A_18 = arith.constant 1 : i32
    scf.for %scan3A_33 = %scan3A to %scan3A_17 step %scan3A_18  : i32 {
      %mul3A_34 = arith.constant 2 : i32
      %mul3A_35 = arith.muli %scan3A_33, %mul3A_34 : i32
      %add3A_36 = arith.constant 0 : i32
      %add3A_37 = arith.addi %add3A_36, %mul3A_35 : i32
      %add3A_38 = arith.constant 1 : i32
      %add3A_39 = arith.addi %add3A_37, %add3A_38 : i32
      %dma_start3A_40 = arith.constant 0 : i32
      %dma_start3A_41 = tpu.memref_slice %arg7[%add3A_39, %dma_start3A_40] : memref<40x128xi32, #tpu.memory_space<vmem>> -> memref<1x128xi32, #tpu.memory_space<vmem>>
      %dma_start3A_42 = tpu.memref_squeeze %dma_start3A_41 : memref<1x128xi32, #tpu.memory_space<vmem>> -> memref<128xi32, #tpu.memory_space<vmem>>
      %dma_start3A_43 = arith.constant 0 : i32
      %dma_start3A_44 = arith.constant 0 : i32
      %dma_start3A_45 = tpu.memref_slice %arg2[%dma_start3A_43, %dma_start3A_44] : memref<10000x128xf32, #tpu.memory_space<hbm>> -> memref<10000x128xf32, #tpu.memory_space<hbm>>
      tpu.enqueue_indirect_dma source(%dma_start3A_45 : memref<10000x128xf32, #tpu.memory_space<hbm>>) target(%arg10 : memref<128x128xf32, #tpu.memory_space<vmem>>) offsets(%dma_start3A_42 : memref<128xi32, #tpu.memory_space<vmem>>) semaphore(%arg13 : memref<!tpu.dma_semaphore, #tpu.memory_space<semaphore_mem>>)
      %dma_wait3A_46 = arith.constant 0 : i32
      %dma_wait3A_47 = arith.constant 0 : i32
      %dma_wait3A_48 = tpu.memref_slice %arg7[%dma_wait3A_46, %dma_wait3A_47] : memref<40x128xi32, #tpu.memory_space<vmem>> -> memref<1x128xi32, #tpu.memory_space<vmem>>
      %dma_wait3A_49 = tpu.memref_squeeze %dma_wait3A_48 : memref<1x128xi32, #tpu.memory_space<vmem>> -> memref<128xi32, #tpu.memory_space<vmem>>
      %dma_wait3A_50 = arith.constant 0 : i32
      %dma_wait3A_51 = arith.constant 0 : i32
      %dma_wait3A_52 = tpu.memref_slice %arg2[%dma_wait3A_50, %dma_wait3A_51] : memref<10000x128xf32, #tpu.memory_space<hbm>> -> memref<10000x128xf32, #tpu.memory_space<hbm>>
      tpu.wait_indirect_dma semaphore(%arg12 : memref<!tpu.dma_semaphore, #tpu.memory_space<semaphore_mem>>) src(%dma_wait3A_52 : memref<10000x128xf32, #tpu.memory_space<hbm>>) dst(%arg9 : memref<128x128xf32, #tpu.memory_space<vmem>>)
      "tpu.region"() ({
        %run_scoped3A = tpu.sem_alloc : memref<!tpu.dma_semaphore, #tpu.memory_space<semaphore_mem>>
        %dma_start3A_66 = arith.constant 0 : i32
        %dma_start3A_67 = tpu.memref_slice %arg8[%add3A_37, %dma_start3A_66] : memref<40x128xi32, #tpu.memory_space<vmem>> -> memref<1x128xi32, #tpu.memory_space<vmem>>
        %dma_start3A_68 = tpu.memref_squeeze %dma_start3A_67 : memref<1x128xi32, #tpu.memory_space<vmem>> -> memref<128xi32, #tpu.memory_space<vmem>>
        %dma_start3A_69 = arith.constant 0 : i32
        %dma_start3A_70 = arith.constant 0 : i32
        %dma_start3A_71 = tpu.memref_slice %arg11[%dma_start3A_69, %dma_start3A_70] : memref<10112x128xf32, #tpu.memory_space<vmem_shared>> -> memref<10112x128xf32, #tpu.memory_space<vmem_shared>>
        tpu.enqueue_indirect_dma source(%arg9 : memref<128x128xf32, #tpu.memory_space<vmem>>) target(%dma_start3A_71 : memref<10112x128xf32, #tpu.memory_space<vmem_shared>>) offsets(%dma_start3A_68 : memref<128xi32, #tpu.memory_space<vmem>>) semaphore(%run_scoped3A : memref<!tpu.dma_semaphore, #tpu.memory_space<semaphore_mem>>) {add = true}
        %dma_wait3A_72 = arith.constant 0 : i32
        %dma_wait3A_73 = tpu.memref_slice %arg8[%add3A_37, %dma_wait3A_72] : memref<40x128xi32, #tpu.memory_space<vmem>> -> memref<1x128xi32, #tpu.memory_space<vmem>>
        %dma_wait3A_74 = tpu.memref_squeeze %dma_wait3A_73 : memref<1x128xi32, #tpu.memory_space<vmem>> -> memref<128xi32, #tpu.memory_space<vmem>>
        %dma_wait3A_75 = arith.constant 0 : i32
        %dma_wait3A_76 = arith.constant 0 : i32
        %dma_wait3A_77 = tpu.memref_slice %arg11[%dma_wait3A_75, %dma_wait3A_76] : memref<10112x128xf32, #tpu.memory_space<vmem_shared>> -> memref<10112x128xf32, #tpu.memory_space<vmem_shared>>
        tpu.wait_indirect_dma semaphore(%run_scoped3A : memref<!tpu.dma_semaphore, #tpu.memory_space<semaphore_mem>>) src(%arg9 : memref<128x128xf32, #tpu.memory_space<vmem>>) dst(%dma_wait3A_77 : memref<10112x128xf32, #tpu.memory_space<vmem_shared>>)
        tpu.yield
      }) : () -> ()
      %add3A_53 = arith.constant 2 : i32
      %add3A_54 = arith.addi %add3A_37, %add3A_53 : i32
      %lt3A = arith.constant 40 : i32
      %lt3A_55 = arith.cmpi slt, %add3A_54, %lt3A : i32
      %convert_element_type3A = arith.extui %lt3A_55 : i1 to i32
      %cond3A = arith.constant 0 : i32
      %cond3A_56 = arith.cmpi ne, %convert_element_type3A, %cond3A : i32
      scf.if %cond3A_56 {
        %add3A_66 = arith.constant 2 : i32
        %add3A_67 = arith.addi %add3A_37, %add3A_66 : i32
        %dma_start3A_68 = arith.constant 0 : i32
        %dma_start3A_69 = tpu.memref_slice %arg7[%add3A_67, %dma_start3A_68] : memref<40x128xi32, #tpu.memory_space<vmem>> -> memref<1x128xi32, #tpu.memory_space<vmem>>
        %dma_start3A_70 = tpu.memref_squeeze %dma_start3A_69 : memref<1x128xi32, #tpu.memory_space<vmem>> -> memref<128xi32, #tpu.memory_space<vmem>>
        %dma_start3A_71 = arith.constant 0 : i32
        %dma_start3A_72 = arith.constant 0 : i32
        %dma_start3A_73 = tpu.memref_slice %arg2[%dma_start3A_71, %dma_start3A_72] : memref<10000x128xf32, #tpu.memory_space<hbm>> -> memref<10000x128xf32, #tpu.memory_space<hbm>>
        tpu.enqueue_indirect_dma source(%dma_start3A_73 : memref<10000x128xf32, #tpu.memory_space<hbm>>) target(%arg9 : memref<128x128xf32, #tpu.memory_space<vmem>>) offsets(%dma_start3A_70 : memref<128xi32, #tpu.memory_space<vmem>>) semaphore(%arg12 : memref<!tpu.dma_semaphore, #tpu.memory_space<semaphore_mem>>)
      } else {
      }
      %dma_wait3A_57 = arith.constant 0 : i32
      %dma_wait3A_58 = arith.constant 0 : i32
      %dma_wait3A_59 = tpu.memref_slice %arg7[%dma_wait3A_57, %dma_wait3A_58] : memref<40x128xi32, #tpu.memory_space<vmem>> -> memref<1x128xi32, #tpu.memory_space<vmem>>
      %dma_wait3A_60 = tpu.memref_squeeze %dma_wait3A_59 : memref<1x128xi32, #tpu.memory_space<vmem>> -> memref<128xi32, #tpu.memory_space<vmem>>
      %dma_wait3A_61 = arith.constant 0 : i32
      %dma_wait3A_62 = arith.constant 0 : i32
      %dma_wait3A_63 = tpu.memref_slice %arg2[%dma_wait3A_61, %dma_wait3A_62] : memref<10000x128xf32, #tpu.memory_space<hbm>> -> memref<10000x128xf32, #tpu.memory_space<hbm>>
      tpu.wait_indirect_dma semaphore(%arg13 : memref<!tpu.dma_semaphore, #tpu.memory_space<semaphore_mem>>) src(%dma_wait3A_63 : memref<10000x128xf32, #tpu.memory_space<hbm>>) dst(%arg10 : memref<128x128xf32, #tpu.memory_space<vmem>>)
      %add3A_64 = arith.constant 1 : i32
      %add3A_65 = arith.addi %add3A_37, %add3A_64 : i32
      "tpu.region"() ({
        %run_scoped3A = tpu.sem_alloc : memref<!tpu.dma_semaphore, #tpu.memory_space<semaphore_mem>>
        %dma_start3A_66 = arith.constant 0 : i32
        %dma_start3A_67 = tpu.memref_slice %arg8[%add3A_65, %dma_start3A_66] : memref<40x128xi32, #tpu.memory_space<vmem>> -> memref<1x128xi32, #tpu.memory_space<vmem>>
        %dma_start3A_68 = tpu.memref_squeeze %dma_start3A_67 : memref<1x128xi32, #tpu.memory_space<vmem>> -> memref<128xi32, #tpu.memory_space<vmem>>
        %dma_start3A_69 = arith.constant 0 : i32
        %dma_start3A_70 = arith.constant 0 : i32
        %dma_start3A_71 = tpu.memref_slice %arg11[%dma_start3A_69, %dma_start3A_70] : memref<10112x128xf32, #tpu.memory_space<vmem_shared>> -> memref<10112x128xf32, #tpu.memory_space<vmem_shared>>
        tpu.enqueue_indirect_dma source(%arg10 : memref<128x128xf32, #tpu.memory_space<vmem>>) target(%dma_start3A_71 : memref<10112x128xf32, #tpu.memory_space<vmem_shared>>) offsets(%dma_start3A_68 : memref<128xi32, #tpu.memory_space<vmem>>) semaphore(%run_scoped3A : memref<!tpu.dma_semaphore, #tpu.memory_space<semaphore_mem>>) {add = true}
        %dma_wait3A_72 = arith.constant 0 : i32
        %dma_wait3A_73 = tpu.memref_slice %arg8[%add3A_65, %dma_wait3A_72] : memref<40x128xi32, #tpu.memory_space<vmem>> -> memref<1x128xi32, #tpu.memory_space<vmem>>
        %dma_wait3A_74 = tpu.memref_squeeze %dma_wait3A_73 : memref<1x128xi32, #tpu.memory_space<vmem>> -> memref<128xi32, #tpu.memory_space<vmem>>
        %dma_wait3A_75 = arith.constant 0 : i32
        %dma_wait3A_76 = arith.constant 0 : i32
        %dma_wait3A_77 = tpu.memref_slice %arg11[%dma_wait3A_75, %dma_wait3A_76] : memref<10112x128xf32, #tpu.memory_space<vmem_shared>> -> memref<10112x128xf32, #tpu.memory_space<vmem_shared>>
        tpu.wait_indirect_dma semaphore(%run_scoped3A : memref<!tpu.dma_semaphore, #tpu.memory_space<semaphore_mem>>) src(%arg10 : memref<128x128xf32, #tpu.memory_space<vmem>>) dst(%dma_wait3A_77 : memref<10112x128xf32, #tpu.memory_space<vmem_shared>>)
        tpu.yield
      }) : () -> ()
    }
    %scan3A_19 = arith.constant 20 : i32
    "tpu.region"() ({
      %run_scoped3A = tpu.sem_alloc : memref<!tpu.dma_semaphore, #tpu.memory_space<semaphore_mem>>
      %dma_start3A_33 = arith.constant 40 : i32
      %dma_start3A_34 = arith.constant 0 : i32
      %dma_start3A_35 = tpu.memref_slice %arg3[%add3A, %dma_start3A_33, %dma_start3A_34] : memref<32x80x128xi32, #tpu.memory_space<hbm>> -> memref<1x40x128xi32, #tpu.memory_space<hbm>>
      %dma_start3A_36 = tpu.memref_squeeze %dma_start3A_35 : memref<1x40x128xi32, #tpu.memory_space<hbm>> -> memref<40x128xi32, #tpu.memory_space<hbm>>
      %dma_start3A_37 = arith.constant 40 : i32
      %dma_start3A_38 = arith.constant 0 : i32
      %dma_start3A_39 = tpu.memref_slice %arg3[%add3A, %dma_start3A_37, %dma_start3A_38] : memref<32x80x128xi32, #tpu.memory_space<hbm>> -> memref<1x40x128xi32, #tpu.memory_space<hbm>>
      %dma_start3A_40 = tpu.memref_squeeze %dma_start3A_39 : memref<1x40x128xi32, #tpu.memory_space<hbm>> -> memref<40x128xi32, #tpu.memory_space<hbm>>
      tpu.enqueue_dma source(%dma_start3A_40 : memref<40x128xi32, #tpu.memory_space<hbm>>) target(%arg7 : memref<40x128xi32, #tpu.memory_space<vmem>>) target_semaphore(%run_scoped3A : memref<!tpu.dma_semaphore, #tpu.memory_space<semaphore_mem>>)
      %dma_wait3A_41 = arith.constant 40 : i32
      %dma_wait3A_42 = arith.constant 0 : i32
      %dma_wait3A_43 = tpu.memref_slice %arg3[%add3A, %dma_wait3A_41, %dma_wait3A_42] : memref<32x80x128xi32, #tpu.memory_space<hbm>> -> memref<1x40x128xi32, #tpu.memory_space<hbm>>
      %dma_wait3A_44 = tpu.memref_squeeze %dma_wait3A_43 : memref<1x40x128xi32, #tpu.memory_space<hbm>> -> memref<40x128xi32, #tpu.memory_space<hbm>>
      %dma_wait3A_45 = arith.constant 40 : i32
      %dma_wait3A_46 = arith.constant 0 : i32
      %dma_wait3A_47 = tpu.memref_slice %arg3[%add3A, %dma_wait3A_45, %dma_wait3A_46] : memref<32x80x128xi32, #tpu.memory_space<hbm>> -> memref<1x40x128xi32, #tpu.memory_space<hbm>>
      %dma_wait3A_48 = tpu.memref_squeeze %dma_wait3A_47 : memref<1x40x128xi32, #tpu.memory_space<hbm>> -> memref<40x128xi32, #tpu.memory_space<hbm>>
      tpu.wait_dma2 semaphore(%run_scoped3A : memref<!tpu.dma_semaphore, #tpu.memory_space<semaphore_mem>>) src(%dma_wait3A_48 : memref<40x128xi32, #tpu.memory_space<hbm>>) dst(%arg7 : memref<40x128xi32, #tpu.memory_space<vmem>>)
      tpu.yield
    }) : () -> ()
    "tpu.region"() ({
      %run_scoped3A = tpu.sem_alloc : memref<!tpu.dma_semaphore, #tpu.memory_space<semaphore_mem>>
      %dma_start3A_33 = arith.constant 40 : i32
      %dma_start3A_34 = arith.constant 0 : i32
      %dma_start3A_35 = tpu.memref_slice %arg4[%add3A, %dma_start3A_33, %dma_start3A_34] : memref<32x80x128xi32, #tpu.memory_space<hbm>> -> memref<1x40x128xi32, #tpu.memory_space<hbm>>
      %dma_start3A_36 = tpu.memref_squeeze %dma_start3A_35 : memref<1x40x128xi32, #tpu.memory_space<hbm>> -> memref<40x128xi32, #tpu.memory_space<hbm>>
      %dma_start3A_37 = arith.constant 40 : i32
      %dma_start3A_38 = arith.constant 0 : i32
      %dma_start3A_39 = tpu.memref_slice %arg4[%add3A, %dma_start3A_37, %dma_start3A_38] : memref<32x80x128xi32, #tpu.memory_space<hbm>> -> memref<1x40x128xi32, #tpu.memory_space<hbm>>
      %dma_start3A_40 = tpu.memref_squeeze %dma_start3A_39 : memref<1x40x128xi32, #tpu.memory_space<hbm>> -> memref<40x128xi32, #tpu.memory_space<hbm>>
      tpu.enqueue_dma source(%dma_start3A_40 : memref<40x128xi32, #tpu.memory_space<hbm>>) target(%arg8 : memref<40x128xi32, #tpu.memory_space<vmem>>) target_semaphore(%run_scoped3A : memref<!tpu.dma_semaphore, #tpu.memory_space<semaphore_mem>>)
      %dma_wait3A_41 = arith.constant 40 : i32
      %dma_wait3A_42 = arith.constant 0 : i32
      %dma_wait3A_43 = tpu.memref_slice %arg4[%add3A, %dma_wait3A_41, %dma_wait3A_42] : memref<32x80x128xi32, #tpu.memory_space<hbm>> -> memref<1x40x128xi32, #tpu.memory_space<hbm>>
      %dma_wait3A_44 = tpu.memref_squeeze %dma_wait3A_43 : memref<1x40x128xi32, #tpu.memory_space<hbm>> -> memref<40x128xi32, #tpu.memory_space<hbm>>
      %dma_wait3A_45 = arith.constant 40 : i32
      %dma_wait3A_46 = arith.constant 0 : i32
      %dma_wait3A_47 = tpu.memref_slice %arg4[%add3A, %dma_wait3A_45, %dma_wait3A_46] : memref<32x80x128xi32, #tpu.memory_space<hbm>> -> memref<1x40x128xi32, #tpu.memory_space<hbm>>
      %dma_wait3A_48 = tpu.memref_squeeze %dma_wait3A_47 : memref<1x40x128xi32, #tpu.memory_space<hbm>> -> memref<40x128xi32, #tpu.memory_space<hbm>>
      tpu.wait_dma2 semaphore(%run_scoped3A : memref<!tpu.dma_semaphore, #tpu.memory_space<semaphore_mem>>) src(%dma_wait3A_48 : memref<40x128xi32, #tpu.memory_space<hbm>>) dst(%arg8 : memref<40x128xi32, #tpu.memory_space<vmem>>)
      tpu.yield
    }) : () -> ()
    %dma_start3A_20 = arith.constant 0 : i32
    %dma_start3A_21 = arith.constant 0 : i32
    %dma_start3A_22 = tpu.memref_slice %arg7[%dma_start3A_20, %dma_start3A_21] : memref<40x128xi32, #tpu.memory_space<vmem>> -> memref<1x128xi32, #tpu.memory_space<vmem>>
    %dma_start3A_23 = tpu.memref_squeeze %dma_start3A_22 : memref<1x128xi32, #tpu.memory_space<vmem>> -> memref<128xi32, #tpu.memory_space<vmem>>
    %dma_start3A_24 = arith.constant 0 : i32
    %dma_start3A_25 = arith.constant 0 : i32
    %dma_start3A_26 = tpu.memref_slice %arg2[%dma_start3A_24, %dma_start3A_25] : memref<10000x128xf32, #tpu.memory_space<hbm>> -> memref<10000x128xf32, #tpu.memory_space<hbm>>
    tpu.enqueue_indirect_dma source(%dma_start3A_26 : memref<10000x128xf32, #tpu.memory_space<hbm>>) target(%arg9 : memref<128x128xf32, #tpu.memory_space<vmem>>) offsets(%dma_start3A_23 : memref<128xi32, #tpu.memory_space<vmem>>) semaphore(%arg12 : memref<!tpu.dma_semaphore, #tpu.memory_space<semaphore_mem>>)
    %scan3A_27 = arith.constant 0 : i32
    %scan3A_28 = arith.constant 20 : i32
    %scan3A_29 = arith.addi %scan3A_27, %scan3A_28 : i32
    %scan3A_30 = arith.constant 1 : i32
    scf.for %scan3A_33 = %scan3A_27 to %scan3A_29 step %scan3A_30  : i32 {
      %mul3A_34 = arith.constant 2 : i32
      %mul3A_35 = arith.muli %scan3A_33, %mul3A_34 : i32
      %add3A_36 = arith.constant 0 : i32
      %add3A_37 = arith.addi %add3A_36, %mul3A_35 : i32
      %add3A_38 = arith.constant 1 : i32
      %add3A_39 = arith.addi %add3A_37, %add3A_38 : i32
      %dma_start3A_40 = arith.constant 0 : i32
      %dma_start3A_41 = tpu.memref_slice %arg7[%add3A_39, %dma_start3A_40] : memref<40x128xi32, #tpu.memory_space<vmem>> -> memref<1x128xi32, #tpu.memory_space<vmem>>
      %dma_start3A_42 = tpu.memref_squeeze %dma_start3A_41 : memref<1x128xi32, #tpu.memory_space<vmem>> -> memref<128xi32, #tpu.memory_space<vmem>>
      %dma_start3A_43 = arith.constant 0 : i32
      %dma_start3A_44 = arith.constant 0 : i32
      %dma_start3A_45 = tpu.memref_slice %arg2[%dma_start3A_43, %dma_start3A_44] : memref<10000x128xf32, #tpu.memory_space<hbm>> -> memref<10000x128xf32, #tpu.memory_space<hbm>>
      tpu.enqueue_indirect_dma source(%dma_start3A_45 : memref<10000x128xf32, #tpu.memory_space<hbm>>) target(%arg10 : memref<128x128xf32, #tpu.memory_space<vmem>>) offsets(%dma_start3A_42 : memref<128xi32, #tpu.memory_space<vmem>>) semaphore(%arg13 : memref<!tpu.dma_semaphore, #tpu.memory_space<semaphore_mem>>)
      %dma_wait3A_46 = arith.constant 0 : i32
      %dma_wait3A_47 = arith.constant 0 : i32
      %dma_wait3A_48 = tpu.memref_slice %arg7[%dma_wait3A_46, %dma_wait3A_47] : memref<40x128xi32, #tpu.memory_space<vmem>> -> memref<1x128xi32, #tpu.memory_space<vmem>>
      %dma_wait3A_49 = tpu.memref_squeeze %dma_wait3A_48 : memref<1x128xi32, #tpu.memory_space<vmem>> -> memref<128xi32, #tpu.memory_space<vmem>>
      %dma_wait3A_50 = arith.constant 0 : i32
      %dma_wait3A_51 = arith.constant 0 : i32
      %dma_wait3A_52 = tpu.memref_slice %arg2[%dma_wait3A_50, %dma_wait3A_51] : memref<10000x128xf32, #tpu.memory_space<hbm>> -> memref<10000x128xf32, #tpu.memory_space<hbm>>
      tpu.wait_indirect_dma semaphore(%arg12 : memref<!tpu.dma_semaphore, #tpu.memory_space<semaphore_mem>>) src(%dma_wait3A_52 : memref<10000x128xf32, #tpu.memory_space<hbm>>) dst(%arg9 : memref<128x128xf32, #tpu.memory_space<vmem>>)
      "tpu.region"() ({
        %run_scoped3A = tpu.sem_alloc : memref<!tpu.dma_semaphore, #tpu.memory_space<semaphore_mem>>
        %dma_start3A_66 = arith.constant 0 : i32
        %dma_start3A_67 = tpu.memref_slice %arg8[%add3A_37, %dma_start3A_66] : memref<40x128xi32, #tpu.memory_space<vmem>> -> memref<1x128xi32, #tpu.memory_space<vmem>>
        %dma_start3A_68 = tpu.memref_squeeze %dma_start3A_67 : memref<1x128xi32, #tpu.memory_space<vmem>> -> memref<128xi32, #tpu.memory_space<vmem>>
        %dma_start3A_69 = arith.constant 0 : i32
        %dma_start3A_70 = arith.constant 0 : i32
        %dma_start3A_71 = tpu.memref_slice %arg11[%dma_start3A_69, %dma_start3A_70] : memref<10112x128xf32, #tpu.memory_space<vmem_shared>> -> memref<10112x128xf32, #tpu.memory_space<vmem_shared>>
        tpu.enqueue_indirect_dma source(%arg9 : memref<128x128xf32, #tpu.memory_space<vmem>>) target(%dma_start3A_71 : memref<10112x128xf32, #tpu.memory_space<vmem_shared>>) offsets(%dma_start3A_68 : memref<128xi32, #tpu.memory_space<vmem>>) semaphore(%run_scoped3A : memref<!tpu.dma_semaphore, #tpu.memory_space<semaphore_mem>>) {add = true}
        %dma_wait3A_72 = arith.constant 0 : i32
        %dma_wait3A_73 = tpu.memref_slice %arg8[%add3A_37, %dma_wait3A_72] : memref<40x128xi32, #tpu.memory_space<vmem>> -> memref<1x128xi32, #tpu.memory_space<vmem>>
        %dma_wait3A_74 = tpu.memref_squeeze %dma_wait3A_73 : memref<1x128xi32, #tpu.memory_space<vmem>> -> memref<128xi32, #tpu.memory_space<vmem>>
        %dma_wait3A_75 = arith.constant 0 : i32
        %dma_wait3A_76 = arith.constant 0 : i32
        %dma_wait3A_77 = tpu.memref_slice %arg11[%dma_wait3A_75, %dma_wait3A_76] : memref<10112x128xf32, #tpu.memory_space<vmem_shared>> -> memref<10112x128xf32, #tpu.memory_space<vmem_shared>>
        tpu.wait_indirect_dma semaphore(%run_scoped3A : memref<!tpu.dma_semaphore, #tpu.memory_space<semaphore_mem>>) src(%arg9 : memref<128x128xf32, #tpu.memory_space<vmem>>) dst(%dma_wait3A_77 : memref<10112x128xf32, #tpu.memory_space<vmem_shared>>)
        tpu.yield
      }) : () -> ()
      %add3A_53 = arith.constant 2 : i32
      %add3A_54 = arith.addi %add3A_37, %add3A_53 : i32
      %lt3A = arith.constant 40 : i32
      %lt3A_55 = arith.cmpi slt, %add3A_54, %lt3A : i32
      %convert_element_type3A = arith.extui %lt3A_55 : i1 to i32
      %cond3A = arith.constant 0 : i32
      %cond3A_56 = arith.cmpi ne, %convert_element_type3A, %cond3A : i32
      scf.if %cond3A_56 {
        %add3A_66 = arith.constant 2 : i32
        %add3A_67 = arith.addi %add3A_37, %add3A_66 : i32
        %dma_start3A_68 = arith.constant 0 : i32
        %dma_start3A_69 = tpu.memref_slice %arg7[%add3A_67, %dma_start3A_68] : memref<40x128xi32, #tpu.memory_space<vmem>> -> memref<1x128xi32, #tpu.memory_space<vmem>>
        %dma_start3A_70 = tpu.memref_squeeze %dma_start3A_69 : memref<1x128xi32, #tpu.memory_space<vmem>> -> memref<128xi32, #tpu.memory_space<vmem>>
        %dma_start3A_71 = arith.constant 0 : i32
        %dma_start3A_72 = arith.constant 0 : i32
        %dma_start3A_73 = tpu.memref_slice %arg2[%dma_start3A_71, %dma_start3A_72] : memref<10000x128xf32, #tpu.memory_space<hbm>> -> memref<10000x128xf32, #tpu.memory_space<hbm>>
        tpu.enqueue_indirect_dma source(%dma_start3A_73 : memref<10000x128xf32, #tpu.memory_space<hbm>>) target(%arg9 : memref<128x128xf32, #tpu.memory_space<vmem>>) offsets(%dma_start3A_70 : memref<128xi32, #tpu.memory_space<vmem>>) semaphore(%arg12 : memref<!tpu.dma_semaphore, #tpu.memory_space<semaphore_mem>>)
      } else {
      }
      %dma_wait3A_57 = arith.constant 0 : i32
      %dma_wait3A_58 = arith.constant 0 : i32
      %dma_wait3A_59 = tpu.memref_slice %arg7[%dma_wait3A_57, %dma_wait3A_58] : memref<40x128xi32, #tpu.memory_space<vmem>> -> memref<1x128xi32, #tpu.memory_space<vmem>>
      %dma_wait3A_60 = tpu.memref_squeeze %dma_wait3A_59 : memref<1x128xi32, #tpu.memory_space<vmem>> -> memref<128xi32, #tpu.memory_space<vmem>>
      %dma_wait3A_61 = arith.constant 0 : i32
      %dma_wait3A_62 = arith.constant 0 : i32
      %dma_wait3A_63 = tpu.memref_slice %arg2[%dma_wait3A_61, %dma_wait3A_62] : memref<10000x128xf32, #tpu.memory_space<hbm>> -> memref<10000x128xf32, #tpu.memory_space<hbm>>
      tpu.wait_indirect_dma semaphore(%arg13 : memref<!tpu.dma_semaphore, #tpu.memory_space<semaphore_mem>>) src(%dma_wait3A_63 : memref<10000x128xf32, #tpu.memory_space<hbm>>) dst(%arg10 : memref<128x128xf32, #tpu.memory_space<vmem>>)
      %add3A_64 = arith.constant 1 : i32
      %add3A_65 = arith.addi %add3A_37, %add3A_64 : i32
      "tpu.region"() ({
        %run_scoped3A = tpu.sem_alloc : memref<!tpu.dma_semaphore, #tpu.memory_space<semaphore_mem>>
        %dma_start3A_66 = arith.constant 0 : i32
        %dma_start3A_67 = tpu.memref_slice %arg8[%add3A_65, %dma_start3A_66] : memref<40x128xi32, #tpu.memory_space<vmem>> -> memref<1x128xi32, #tpu.memory_space<vmem>>
        %dma_start3A_68 = tpu.memref_squeeze %dma_start3A_67 : memref<1x128xi32, #tpu.memory_space<vmem>> -> memref<128xi32, #tpu.memory_space<vmem>>
        %dma_start3A_69 = arith.constant 0 : i32
        %dma_start3A_70 = arith.constant 0 : i32
        %dma_start3A_71 = tpu.memref_slice %arg11[%dma_start3A_69, %dma_start3A_70] : memref<10112x128xf32, #tpu.memory_space<vmem_shared>> -> memref<10112x128xf32, #tpu.memory_space<vmem_shared>>
        tpu.enqueue_indirect_dma source(%arg10 : memref<128x128xf32, #tpu.memory_space<vmem>>) target(%dma_start3A_71 : memref<10112x128xf32, #tpu.memory_space<vmem_shared>>) offsets(%dma_start3A_68 : memref<128xi32, #tpu.memory_space<vmem>>) semaphore(%run_scoped3A : memref<!tpu.dma_semaphore, #tpu.memory_space<semaphore_mem>>) {add = true}
        %dma_wait3A_72 = arith.constant 0 : i32
        %dma_wait3A_73 = tpu.memref_slice %arg8[%add3A_65, %dma_wait3A_72] : memref<40x128xi32, #tpu.memory_space<vmem>> -> memref<1x128xi32, #tpu.memory_space<vmem>>
        %dma_wait3A_74 = tpu.memref_squeeze %dma_wait3A_73 : memref<1x128xi32, #tpu.memory_space<vmem>> -> memref<128xi32, #tpu.memory_space<vmem>>
        %dma_wait3A_75 = arith.constant 0 : i32
        %dma_wait3A_76 = arith.constant 0 : i32
        %dma_wait3A_77 = tpu.memref_slice %arg11[%dma_wait3A_75, %dma_wait3A_76] : memref<10112x128xf32, #tpu.memory_space<vmem_shared>> -> memref<10112x128xf32, #tpu.memory_space<vmem_shared>>
        tpu.wait_indirect_dma semaphore(%run_scoped3A : memref<!tpu.dma_semaphore, #tpu.memory_space<semaphore_mem>>) src(%arg10 : memref<128x128xf32, #tpu.memory_space<vmem>>) dst(%dma_wait3A_77 : memref<10112x128xf32, #tpu.memory_space<vmem_shared>>)
        tpu.yield
      }) : () -> ()
    }
    %scan3A_31 = arith.constant 20 : i32
    %barrier3A_32 = arith.constant 0 : index
    tpu.barrier barrier_id(%barrier3A_32)
    "tpu.region"() ({
      %run_scoped3A = tpu.sem_alloc : memref<!tpu.dma_semaphore, #tpu.memory_space<semaphore_mem>>
      %dma_start3A_33 = arith.constant 0 : i32
      %dma_start3A_34 = tpu.memref_slice %arg6[%arg0, %mul3A_2, %dma_start3A_33] : memref<2x10112x128xf32, #tpu.memory_space<hbm>> -> memref<1x632x128xf32, #tpu.memory_space<hbm>>
      %dma_start3A_35 = tpu.memref_squeeze %dma_start3A_34 : memref<1x632x128xf32, #tpu.memory_space<hbm>> -> memref<632x128xf32, #tpu.memory_space<hbm>>
      %dma_start3A_36 = arith.constant 0 : i32
      %dma_start3A_37 = tpu.memref_slice %arg11[%mul3A_2, %dma_start3A_36] : memref<10112x128xf32, #tpu.memory_space<vmem_shared>> -> memref<632x128xf32, #tpu.memory_space<vmem_shared>>
      tpu.enqueue_dma source(%dma_start3A_37 : memref<632x128xf32, #tpu.memory_space<vmem_shared>>) target(%dma_start3A_35 : memref<632x128xf32, #tpu.memory_space<hbm>>) target_semaphore(%run_scoped3A : memref<!tpu.dma_semaphore, #tpu.memory_space<semaphore_mem>>)
      %dma_wait3A_38 = arith.constant 0 : i32
      %dma_wait3A_39 = tpu.memref_slice %arg6[%arg0, %mul3A_2, %dma_wait3A_38] : memref<2x10112x128xf32, #tpu.memory_space<hbm>> -> memref<1x632x128xf32, #tpu.memory_space<hbm>>
      %dma_wait3A_40 = tpu.memref_squeeze %dma_wait3A_39 : memref<1x632x128xf32, #tpu.memory_space<hbm>> -> memref<632x128xf32, #tpu.memory_space<hbm>>
      %dma_wait3A_41 = arith.constant 0 : i32
      %dma_wait3A_42 = tpu.memref_slice %arg11[%mul3A_2, %dma_wait3A_41] : memref<10112x128xf32, #tpu.memory_space<vmem_shared>> -> memref<632x128xf32, #tpu.memory_space<vmem_shared>>
      tpu.wait_dma2 semaphore(%run_scoped3A : memref<!tpu.dma_semaphore, #tpu.memory_space<semaphore_mem>>) src(%dma_wait3A_42 : memref<632x128xf32, #tpu.memory_space<vmem_shared>>) dst(%dma_wait3A_40 : memref<632x128xf32, #tpu.memory_space<hbm>>)
      tpu.yield
    }) : () -> ()
    return
  }
}

#map = affine_map<(d0, d1) -> (0, 0)>
#map1 = affine_map<(d0, d1) -> (0, 0, 0)>
module attributes {stable_mosaic.version = 14 : i64} {
  func.func @body(%arg0: i32, %arg1: i32, %arg2: memref<10000x128xf32, #tpu.memory_space<hbm>>, %arg3: memref<32x80x128xi32, #tpu.memory_space<hbm>>, %arg4: memref<32x80x128xi32, #tpu.memory_space<hbm>>, %arg5: memref<10112x128xf32, #tpu.memory_space<hbm>>, %arg6: memref<2x10112x128xf32, #tpu.memory_space<hbm>>, %arg7: memref<40x128xi32, #tpu.memory_space<vmem>>, %arg8: memref<40x128xi32, #tpu.memory_space<vmem>>, %arg9: memref<128x128xf32, #tpu.memory_space<vmem>>, %arg10: memref<128x128xf32, #tpu.memory_space<vmem>>, %arg11: memref<10112x128xf32, #tpu.memory_space<vmem_shared>>, %arg12: memref<!tpu.dma_semaphore, #tpu.memory_space<semaphore_mem>>, %arg13: memref<!tpu.dma_semaphore, #tpu.memory_space<semaphore_mem>>, %arg14: memref<!tpu.dma_semaphore, #tpu.memory_space<semaphore_mem>>) attributes {dimension_semantics = [#tpu.dimension_semantics<core_parallel>, #tpu.dimension_semantics<subcore_parallel>], iteration_bounds = array<i64: 2, 16>, scalar_prefetch = 0 : i64, scratch_operands = 8 : i64, tpu.core_type = #tpu.core_type<sc_vector_subcore>, window_params = [{transform_indices = #map}, {transform_indices = #map1}, {transform_indices = #map1}, {transform_indices = #map}, {transform_indices = #map1}]} {
    %mul3A = arith.constant 2 : i32
    %mul3A_0 = arith.muli %arg1, %mul3A : i32
    %add3A = arith.addi %mul3A_0, %arg0 : i32
    %mul3A_1 = arith.constant 632 : i32
    %mul3A_2 = arith.muli %arg1, %mul3A_1 : i32
    %dma_start3A = arith.constant 0 : i32
    %dma_start3A_3 = tpu.memref_slice %arg11[%mul3A_2, %dma_start3A] : memref<10112x128xf32, #tpu.memory_space<vmem_shared>> -> memref<632x128xf32, #tpu.memory_space<vmem_shared>>
    %dma_start3A_4 = arith.constant 0 : i32
    %dma_start3A_5 = tpu.memref_slice %arg5[%mul3A_2, %dma_start3A_4] : memref<10112x128xf32, #tpu.memory_space<hbm>> -> memref<632x128xf32, #tpu.memory_space<hbm>>
    tpu.enqueue_dma source(%dma_start3A_5 : memref<632x128xf32, #tpu.memory_space<hbm>>) target(%dma_start3A_3 : memref<632x128xf32, #tpu.memory_space<vmem_shared>>) target_semaphore(%arg14 : memref<!tpu.dma_semaphore, #tpu.memory_space<semaphore_mem>>)
    "tpu.region"() ({
      %run_scoped3A = tpu.sem_alloc : memref<!tpu.dma_semaphore, #tpu.memory_space<semaphore_mem>>
      %dma_start3A_33 = arith.constant 0 : i32
      %dma_start3A_34 = arith.constant 0 : i32
      %dma_start3A_35 = tpu.memref_slice %arg3[%add3A, %dma_start3A_33, %dma_start3A_34] : memref<32x80x128xi32, #tpu.memory_space<hbm>> -> memref<1x40x128xi32, #tpu.memory_space<hbm>>
      %dma_start3A_36 = tpu.memref_squeeze %dma_start3A_35 : memref<1x40x128xi32, #tpu.memory_space<hbm>> -> memref<40x128xi32, #tpu.memory_space<hbm>>
      %dma_start3A_37 = arith.constant 0 : i32
      %dma_start3A_38 = arith.constant 0 : i32
      %dma_start3A_39 = tpu.memref_slice %arg3[%add3A, %dma_start3A_37, %dma_start3A_38] : memref<32x80x128xi32, #tpu.memory_space<hbm>> -> memref<1x40x128xi32, #tpu.memory_space<hbm>>
      %dma_start3A_40 = tpu.memref_squeeze %dma_start3A_39 : memref<1x40x128xi32, #tpu.memory_space<hbm>> -> memref<40x128xi32, #tpu.memory_space<hbm>>
      tpu.enqueue_dma source(%dma_start3A_40 : memref<40x128xi32, #tpu.memory_space<hbm>>) target(%arg7 : memref<40x128xi32, #tpu.memory_space<vmem>>) target_semaphore(%run_scoped3A : memref<!tpu.dma_semaphore, #tpu.memory_space<semaphore_mem>>)
      %dma_wait3A_41 = arith.constant 0 : i32
      %dma_wait3A_42 = arith.constant 0 : i32
      %dma_wait3A_43 = tpu.memref_slice %arg3[%add3A, %dma_wait3A_41, %dma_wait3A_42] : memref<32x80x128xi32, #tpu.memory_space<hbm>> -> memref<1x40x128xi32, #tpu.memory_space<hbm>>
      %dma_wait3A_44 = tpu.memref_squeeze %dma_wait3A_43 : memref<1x40x128xi32, #tpu.memory_space<hbm>> -> memref<40x128xi32, #tpu.memory_space<hbm>>
      %dma_wait3A_45 = arith.constant 0 : i32
      %dma_wait3A_46 = arith.constant 0 : i32
      %dma_wait3A_47 = tpu.memref_slice %arg3[%add3A, %dma_wait3A_45, %dma_wait3A_46] : memref<32x80x128xi32, #tpu.memory_space<hbm>> -> memref<1x40x128xi32, #tpu.memory_space<hbm>>
      %dma_wait3A_48 = tpu.memref_squeeze %dma_wait3A_47 : memref<1x40x128xi32, #tpu.memory_space<hbm>> -> memref<40x128xi32, #tpu.memory_space<hbm>>
      tpu.wait_dma2 semaphore(%run_scoped3A : memref<!tpu.dma_semaphore, #tpu.memory_space<semaphore_mem>>) src(%dma_wait3A_48 : memref<40x128xi32, #tpu.memory_space<hbm>>) dst(%arg7 : memref<40x128xi32, #tpu.memory_space<vmem>>)
      tpu.yield
    }) : () -> ()
    "tpu.region"() ({
      %run_scoped3A = tpu.sem_alloc : memref<!tpu.dma_semaphore, #tpu.memory_space<semaphore_mem>>
      %dma_start3A_33 = arith.constant 0 : i32
      %dma_start3A_34 = arith.constant 0 : i32
      %dma_start3A_35 = tpu.memref_slice %arg4[%add3A, %dma_start3A_33, %dma_start3A_34] : memref<32x80x128xi32, #tpu.memory_space<hbm>> -> memref<1x40x128xi32, #tpu.memory_space<hbm>>
      %dma_start3A_36 = tpu.memref_squeeze %dma_start3A_35 : memref<1x40x128xi32, #tpu.memory_space<hbm>> -> memref<40x128xi32, #tpu.memory_space<hbm>>
      %dma_start3A_37 = arith.constant 0 : i32
      %dma_start3A_38 = arith.constant 0 : i32
      %dma_start3A_39 = tpu.memref_slice %arg4[%add3A, %dma_start3A_37, %dma_start3A_38] : memref<32x80x128xi32, #tpu.memory_space<hbm>> -> memref<1x40x128xi32, #tpu.memory_space<hbm>>
      %dma_start3A_40 = tpu.memref_squeeze %dma_start3A_39 : memref<1x40x128xi32, #tpu.memory_space<hbm>> -> memref<40x128xi32, #tpu.memory_space<hbm>>
      tpu.enqueue_dma source(%dma_start3A_40 : memref<40x128xi32, #tpu.memory_space<hbm>>) target(%arg8 : memref<40x128xi32, #tpu.memory_space<vmem>>) target_semaphore(%run_scoped3A : memref<!tpu.dma_semaphore, #tpu.memory_space<semaphore_mem>>)
      %dma_wait3A_41 = arith.constant 0 : i32
      %dma_wait3A_42 = arith.constant 0 : i32
      %dma_wait3A_43 = tpu.memref_slice %arg4[%add3A, %dma_wait3A_41, %dma_wait3A_42] : memref<32x80x128xi32, #tpu.memory_space<hbm>> -> memref<1x40x128xi32, #tpu.memory_space<hbm>>
      %dma_wait3A_44 = tpu.memref_squeeze %dma_wait3A_43 : memref<1x40x128xi32, #tpu.memory_space<hbm>> -> memref<40x128xi32, #tpu.memory_space<hbm>>
      %dma_wait3A_45 = arith.constant 0 : i32
      %dma_wait3A_46 = arith.constant 0 : i32
      %dma_wait3A_47 = tpu.memref_slice %arg4[%add3A, %dma_wait3A_45, %dma_wait3A_46] : memref<32x80x128xi32, #tpu.memory_space<hbm>> -> memref<1x40x128xi32, #tpu.memory_space<hbm>>
      %dma_wait3A_48 = tpu.memref_squeeze %dma_wait3A_47 : memref<1x40x128xi32, #tpu.memory_space<hbm>> -> memref<40x128xi32, #tpu.memory_space<hbm>>
      tpu.wait_dma2 semaphore(%run_scoped3A : memref<!tpu.dma_semaphore, #tpu.memory_space<semaphore_mem>>) src(%dma_wait3A_48 : memref<40x128xi32, #tpu.memory_space<hbm>>) dst(%arg8 : memref<40x128xi32, #tpu.memory_space<vmem>>)
      tpu.yield
    }) : () -> ()
    %dma_wait3A = arith.constant 0 : i32
    %dma_wait3A_6 = tpu.memref_slice %arg11[%mul3A_2, %dma_wait3A] : memref<10112x128xf32, #tpu.memory_space<vmem_shared>> -> memref<632x128xf32, #tpu.memory_space<vmem_shared>>
    %dma_wait3A_7 = arith.constant 0 : i32
    %dma_wait3A_8 = tpu.memref_slice %arg5[%mul3A_2, %dma_wait3A_7] : memref<10112x128xf32, #tpu.memory_space<hbm>> -> memref<632x128xf32, #tpu.memory_space<hbm>>
    tpu.wait_dma2 semaphore(%arg14 : memref<!tpu.dma_semaphore, #tpu.memory_space<semaphore_mem>>) src(%dma_wait3A_8 : memref<632x128xf32, #tpu.memory_space<hbm>>) dst(%dma_wait3A_6 : memref<632x128xf32, #tpu.memory_space<vmem_shared>>)
    %barrier3A = arith.constant 0 : index
    tpu.barrier barrier_id(%barrier3A)
    %dma_start3A_9 = arith.constant 0 : i32
    %dma_start3A_10 = arith.constant 0 : i32
    %dma_start3A_11 = tpu.memref_slice %arg7[%dma_start3A_9, %dma_start3A_10] : memref<40x128xi32, #tpu.memory_space<vmem>> -> memref<1x128xi32, #tpu.memory_space<vmem>>
    %dma_start3A_12 = tpu.memref_squeeze %dma_start3A_11 : memref<1x128xi32, #tpu.memory_space<vmem>> -> memref<128xi32, #tpu.memory_space<vmem>>
    %dma_start3A_13 = arith.constant 0 : i32
    %dma_start3A_14 = arith.constant 0 : i32
    %dma_start3A_15 = tpu.memref_slice %arg2[%dma_start3A_13, %dma_start3A_14] : memref<10000x128xf32, #tpu.memory_space<hbm>> -> memref<10000x128xf32, #tpu.memory_space<hbm>>
    tpu.enqueue_indirect_dma source(%dma_start3A_15 : memref<10000x128xf32, #tpu.memory_space<hbm>>) target(%arg9 : memref<128x128xf32, #tpu.memory_space<vmem>>) offsets(%dma_start3A_12 : memref<128xi32, #tpu.memory_space<vmem>>) semaphore(%arg12 : memref<!tpu.dma_semaphore, #tpu.memory_space<semaphore_mem>>)
    %scan3A = arith.constant 0 : i32
    %scan3A_16 = arith.constant 20 : i32
    %scan3A_17 = arith.addi %scan3A, %scan3A_16 : i32
    %scan3A_18 = arith.constant 1 : i32
    scf.for %scan3A_33 = %scan3A to %scan3A_17 step %scan3A_18  : i32 {
      %mul3A_34 = arith.constant 2 : i32
      %mul3A_35 = arith.muli %scan3A_33, %mul3A_34 : i32
      %add3A_36 = arith.constant 0 : i32
      %add3A_37 = arith.addi %add3A_36, %mul3A_35 : i32
      %add3A_38 = arith.constant 1 : i32
      %add3A_39 = arith.addi %add3A_37, %add3A_38 : i32
      %dma_start3A_40 = arith.constant 0 : i32
      %dma_start3A_41 = tpu.memref_slice %arg7[%add3A_39, %dma_start3A_40] : memref<40x128xi32, #tpu.memory_space<vmem>> -> memref<1x128xi32, #tpu.memory_space<vmem>>
      %dma_start3A_42 = tpu.memref_squeeze %dma_start3A_41 : memref<1x128xi32, #tpu.memory_space<vmem>> -> memref<128xi32, #tpu.memory_space<vmem>>
      %dma_start3A_43 = arith.constant 0 : i32
      %dma_start3A_44 = arith.constant 0 : i32
      %dma_start3A_45 = tpu.memref_slice %arg2[%dma_start3A_43, %dma_start3A_44] : memref<10000x128xf32, #tpu.memory_space<hbm>> -> memref<10000x128xf32, #tpu.memory_space<hbm>>
      tpu.enqueue_indirect_dma source(%dma_start3A_45 : memref<10000x128xf32, #tpu.memory_space<hbm>>) target(%arg10 : memref<128x128xf32, #tpu.memory_space<vmem>>) offsets(%dma_start3A_42 : memref<128xi32, #tpu.memory_space<vmem>>) semaphore(%arg13 : memref<!tpu.dma_semaphore, #tpu.memory_space<semaphore_mem>>)
      %dma_wait3A_46 = arith.constant 0 : i32
      %dma_wait3A_47 = arith.constant 0 : i32
      %dma_wait3A_48 = tpu.memref_slice %arg7[%dma_wait3A_46, %dma_wait3A_47] : memref<40x128xi32, #tpu.memory_space<vmem>> -> memref<1x128xi32, #tpu.memory_space<vmem>>
      %dma_wait3A_49 = tpu.memref_squeeze %dma_wait3A_48 : memref<1x128xi32, #tpu.memory_space<vmem>> -> memref<128xi32, #tpu.memory_space<vmem>>
      %dma_wait3A_50 = arith.constant 0 : i32
      %dma_wait3A_51 = arith.constant 0 : i32
      %dma_wait3A_52 = tpu.memref_slice %arg2[%dma_wait3A_50, %dma_wait3A_51] : memref<10000x128xf32, #tpu.memory_space<hbm>> -> memref<10000x128xf32, #tpu.memory_space<hbm>>
      tpu.wait_indirect_dma semaphore(%arg12 : memref<!tpu.dma_semaphore, #tpu.memory_space<semaphore_mem>>) src(%dma_wait3A_52 : memref<10000x128xf32, #tpu.memory_space<hbm>>) dst(%arg9 : memref<128x128xf32, #tpu.memory_space<vmem>>)
      "tpu.region"() ({
        %run_scoped3A = tpu.sem_alloc : memref<!tpu.dma_semaphore, #tpu.memory_space<semaphore_mem>>
        %dma_start3A_66 = arith.constant 0 : i32
        %dma_start3A_67 = tpu.memref_slice %arg8[%add3A_37, %dma_start3A_66] : memref<40x128xi32, #tpu.memory_space<vmem>> -> memref<1x128xi32, #tpu.memory_space<vmem>>
        %dma_start3A_68 = tpu.memref_squeeze %dma_start3A_67 : memref<1x128xi32, #tpu.memory_space<vmem>> -> memref<128xi32, #tpu.memory_space<vmem>>
        %dma_start3A_69 = arith.constant 0 : i32
        %dma_start3A_70 = arith.constant 0 : i32
        %dma_start3A_71 = tpu.memref_slice %arg11[%dma_start3A_69, %dma_start3A_70] : memref<10112x128xf32, #tpu.memory_space<vmem_shared>> -> memref<10112x128xf32, #tpu.memory_space<vmem_shared>>
        tpu.enqueue_indirect_dma source(%arg9 : memref<128x128xf32, #tpu.memory_space<vmem>>) target(%dma_start3A_71 : memref<10112x128xf32, #tpu.memory_space<vmem_shared>>) offsets(%dma_start3A_68 : memref<128xi32, #tpu.memory_space<vmem>>) semaphore(%run_scoped3A : memref<!tpu.dma_semaphore, #tpu.memory_space<semaphore_mem>>) {add = true}
        %dma_wait3A_72 = arith.constant 0 : i32
        %dma_wait3A_73 = tpu.memref_slice %arg8[%add3A_37, %dma_wait3A_72] : memref<40x128xi32, #tpu.memory_space<vmem>> -> memref<1x128xi32, #tpu.memory_space<vmem>>
        %dma_wait3A_74 = tpu.memref_squeeze %dma_wait3A_73 : memref<1x128xi32, #tpu.memory_space<vmem>> -> memref<128xi32, #tpu.memory_space<vmem>>
        %dma_wait3A_75 = arith.constant 0 : i32
        %dma_wait3A_76 = arith.constant 0 : i32
        %dma_wait3A_77 = tpu.memref_slice %arg11[%dma_wait3A_75, %dma_wait3A_76] : memref<10112x128xf32, #tpu.memory_space<vmem_shared>> -> memref<10112x128xf32, #tpu.memory_space<vmem_shared>>
        tpu.wait_indirect_dma semaphore(%run_scoped3A : memref<!tpu.dma_semaphore, #tpu.memory_space<semaphore_mem>>) src(%arg9 : memref<128x128xf32, #tpu.memory_space<vmem>>) dst(%dma_wait3A_77 : memref<10112x128xf32, #tpu.memory_space<vmem_shared>>)
        tpu.yield
      }) : () -> ()
      %add3A_53 = arith.constant 2 : i32
      %add3A_54 = arith.addi %add3A_37, %add3A_53 : i32
      %lt3A = arith.constant 40 : i32
      %lt3A_55 = arith.cmpi slt, %add3A_54, %lt3A : i32
      %convert_element_type3A = arith.extui %lt3A_55 : i1 to i32
      %cond3A = arith.constant 0 : i32
      %cond3A_56 = arith.cmpi ne, %convert_element_type3A, %cond3A : i32
      scf.if %cond3A_56 {
        %add3A_66 = arith.constant 2 : i32
        %add3A_67 = arith.addi %add3A_37, %add3A_66 : i32
        %dma_start3A_68 = arith.constant 0 : i32
        %dma_start3A_69 = tpu.memref_slice %arg7[%add3A_67, %dma_start3A_68] : memref<40x128xi32, #tpu.memory_space<vmem>> -> memref<1x128xi32, #tpu.memory_space<vmem>>
        %dma_start3A_70 = tpu.memref_squeeze %dma_start3A_69 : memref<1x128xi32, #tpu.memory_space<vmem>> -> memref<128xi32, #tpu.memory_space<vmem>>
        %dma_start3A_71 = arith.constant 0 : i32
        %dma_start3A_72 = arith.constant 0 : i32
        %dma_start3A_73 = tpu.memref_slice %arg2[%dma_start3A_71, %dma_start3A_72] : memref<10000x128xf32, #tpu.memory_space<hbm>> -> memref<10000x128xf32, #tpu.memory_space<hbm>>
        tpu.enqueue_indirect_dma source(%dma_start3A_73 : memref<10000x128xf32, #tpu.memory_space<hbm>>) target(%arg9 : memref<128x128xf32, #tpu.memory_space<vmem>>) offsets(%dma_start3A_70 : memref<128xi32, #tpu.memory_space<vmem>>) semaphore(%arg12 : memref<!tpu.dma_semaphore, #tpu.memory_space<semaphore_mem>>)
      } else {
      }
      %dma_wait3A_57 = arith.constant 0 : i32
      %dma_wait3A_58 = arith.constant 0 : i32
      %dma_wait3A_59 = tpu.memref_slice %arg7[%dma_wait3A_57, %dma_wait3A_58] : memref<40x128xi32, #tpu.memory_space<vmem>> -> memref<1x128xi32, #tpu.memory_space<vmem>>
      %dma_wait3A_60 = tpu.memref_squeeze %dma_wait3A_59 : memref<1x128xi32, #tpu.memory_space<vmem>> -> memref<128xi32, #tpu.memory_space<vmem>>
      %dma_wait3A_61 = arith.constant 0 : i32
      %dma_wait3A_62 = arith.constant 0 : i32
      %dma_wait3A_63 = tpu.memref_slice %arg2[%dma_wait3A_61, %dma_wait3A_62] : memref<10000x128xf32, #tpu.memory_space<hbm>> -> memref<10000x128xf32, #tpu.memory_space<hbm>>
      tpu.wait_indirect_dma semaphore(%arg13 : memref<!tpu.dma_semaphore, #tpu.memory_space<semaphore_mem>>) src(%dma_wait3A_63 : memref<10000x128xf32, #tpu.memory_space<hbm>>) dst(%arg10 : memref<128x128xf32, #tpu.memory_space<vmem>>)
      %add3A_64 = arith.constant 1 : i32
      %add3A_65 = arith.addi %add3A_37, %add3A_64 : i32
      "tpu.region"() ({
        %run_scoped3A = tpu.sem_alloc : memref<!tpu.dma_semaphore, #tpu.memory_space<semaphore_mem>>
        %dma_start3A_66 = arith.constant 0 : i32
        %dma_start3A_67 = tpu.memref_slice %arg8[%add3A_65, %dma_start3A_66] : memref<40x128xi32, #tpu.memory_space<vmem>> -> memref<1x128xi32, #tpu.memory_space<vmem>>
        %dma_start3A_68 = tpu.memref_squeeze %dma_start3A_67 : memref<1x128xi32, #tpu.memory_space<vmem>> -> memref<128xi32, #tpu.memory_space<vmem>>
        %dma_start3A_69 = arith.constant 0 : i32
        %dma_start3A_70 = arith.constant 0 : i32
        %dma_start3A_71 = tpu.memref_slice %arg11[%dma_start3A_69, %dma_start3A_70] : memref<10112x128xf32, #tpu.memory_space<vmem_shared>> -> memref<10112x128xf32, #tpu.memory_space<vmem_shared>>
        tpu.enqueue_indirect_dma source(%arg10 : memref<128x128xf32, #tpu.memory_space<vmem>>) target(%dma_start3A_71 : memref<10112x128xf32, #tpu.memory_space<vmem_shared>>) offsets(%dma_start3A_68 : memref<128xi32, #tpu.memory_space<vmem>>) semaphore(%run_scoped3A : memref<!tpu.dma_semaphore, #tpu.memory_space<semaphore_mem>>) {add = true}
        %dma_wait3A_72 = arith.constant 0 : i32
        %dma_wait3A_73 = tpu.memref_slice %arg8[%add3A_65, %dma_wait3A_72] : memref<40x128xi32, #tpu.memory_space<vmem>> -> memref<1x128xi32, #tpu.memory_space<vmem>>
        %dma_wait3A_74 = tpu.memref_squeeze %dma_wait3A_73 : memref<1x128xi32, #tpu.memory_space<vmem>> -> memref<128xi32, #tpu.memory_space<vmem>>
        %dma_wait3A_75 = arith.constant 0 : i32
        %dma_wait3A_76 = arith.constant 0 : i32
        %dma_wait3A_77 = tpu.memref_slice %arg11[%dma_wait3A_75, %dma_wait3A_76] : memref<10112x128xf32, #tpu.memory_space<vmem_shared>> -> memref<10112x128xf32, #tpu.memory_space<vmem_shared>>
        tpu.wait_indirect_dma semaphore(%run_scoped3A : memref<!tpu.dma_semaphore, #tpu.memory_space<semaphore_mem>>) src(%arg10 : memref<128x128xf32, #tpu.memory_space<vmem>>) dst(%dma_wait3A_77 : memref<10112x128xf32, #tpu.memory_space<vmem_shared>>)
        tpu.yield
      }) : () -> ()
    }
    %scan3A_19 = arith.constant 20 : i32
    "tpu.region"() ({
      %run_scoped3A = tpu.sem_alloc : memref<!tpu.dma_semaphore, #tpu.memory_space<semaphore_mem>>
      %dma_start3A_33 = arith.constant 40 : i32
      %dma_start3A_34 = arith.constant 0 : i32
      %dma_start3A_35 = tpu.memref_slice %arg3[%add3A, %dma_start3A_33, %dma_start3A_34] : memref<32x80x128xi32, #tpu.memory_space<hbm>> -> memref<1x40x128xi32, #tpu.memory_space<hbm>>
      %dma_start3A_36 = tpu.memref_squeeze %dma_start3A_35 : memref<1x40x128xi32, #tpu.memory_space<hbm>> -> memref<40x128xi32, #tpu.memory_space<hbm>>
      %dma_start3A_37 = arith.constant 40 : i32
      %dma_start3A_38 = arith.constant 0 : i32
      %dma_start3A_39 = tpu.memref_slice %arg3[%add3A, %dma_start3A_37, %dma_start3A_38] : memref<32x80x128xi32, #tpu.memory_space<hbm>> -> memref<1x40x128xi32, #tpu.memory_space<hbm>>
      %dma_start3A_40 = tpu.memref_squeeze %dma_start3A_39 : memref<1x40x128xi32, #tpu.memory_space<hbm>> -> memref<40x128xi32, #tpu.memory_space<hbm>>
      tpu.enqueue_dma source(%dma_start3A_40 : memref<40x128xi32, #tpu.memory_space<hbm>>) target(%arg7 : memref<40x128xi32, #tpu.memory_space<vmem>>) target_semaphore(%run_scoped3A : memref<!tpu.dma_semaphore, #tpu.memory_space<semaphore_mem>>)
      %dma_wait3A_41 = arith.constant 40 : i32
      %dma_wait3A_42 = arith.constant 0 : i32
      %dma_wait3A_43 = tpu.memref_slice %arg3[%add3A, %dma_wait3A_41, %dma_wait3A_42] : memref<32x80x128xi32, #tpu.memory_space<hbm>> -> memref<1x40x128xi32, #tpu.memory_space<hbm>>
      %dma_wait3A_44 = tpu.memref_squeeze %dma_wait3A_43 : memref<1x40x128xi32, #tpu.memory_space<hbm>> -> memref<40x128xi32, #tpu.memory_space<hbm>>
      %dma_wait3A_45 = arith.constant 40 : i32
      %dma_wait3A_46 = arith.constant 0 : i32
      %dma_wait3A_47 = tpu.memref_slice %arg3[%add3A, %dma_wait3A_45, %dma_wait3A_46] : memref<32x80x128xi32, #tpu.memory_space<hbm>> -> memref<1x40x128xi32, #tpu.memory_space<hbm>>
      %dma_wait3A_48 = tpu.memref_squeeze %dma_wait3A_47 : memref<1x40x128xi32, #tpu.memory_space<hbm>> -> memref<40x128xi32, #tpu.memory_space<hbm>>
      tpu.wait_dma2 semaphore(%run_scoped3A : memref<!tpu.dma_semaphore, #tpu.memory_space<semaphore_mem>>) src(%dma_wait3A_48 : memref<40x128xi32, #tpu.memory_space<hbm>>) dst(%arg7 : memref<40x128xi32, #tpu.memory_space<vmem>>)
      tpu.yield
    }) : () -> ()
    "tpu.region"() ({
      %run_scoped3A = tpu.sem_alloc : memref<!tpu.dma_semaphore, #tpu.memory_space<semaphore_mem>>
      %dma_start3A_33 = arith.constant 40 : i32
      %dma_start3A_34 = arith.constant 0 : i32
      %dma_start3A_35 = tpu.memref_slice %arg4[%add3A, %dma_start3A_33, %dma_start3A_34] : memref<32x80x128xi32, #tpu.memory_space<hbm>> -> memref<1x40x128xi32, #tpu.memory_space<hbm>>
      %dma_start3A_36 = tpu.memref_squeeze %dma_start3A_35 : memref<1x40x128xi32, #tpu.memory_space<hbm>> -> memref<40x128xi32, #tpu.memory_space<hbm>>
      %dma_start3A_37 = arith.constant 40 : i32
      %dma_start3A_38 = arith.constant 0 : i32
      %dma_start3A_39 = tpu.memref_slice %arg4[%add3A, %dma_start3A_37, %dma_start3A_38] : memref<32x80x128xi32, #tpu.memory_space<hbm>> -> memref<1x40x128xi32, #tpu.memory_space<hbm>>
      %dma_start3A_40 = tpu.memref_squeeze %dma_start3A_39 : memref<1x40x128xi32, #tpu.memory_space<hbm>> -> memref<40x128xi32, #tpu.memory_space<hbm>>
      tpu.enqueue_dma source(%dma_start3A_40 : memref<40x128xi32, #tpu.memory_space<hbm>>) target(%arg8 : memref<40x128xi32, #tpu.memory_space<vmem>>) target_semaphore(%run_scoped3A : memref<!tpu.dma_semaphore, #tpu.memory_space<semaphore_mem>>)
      %dma_wait3A_41 = arith.constant 40 : i32
      %dma_wait3A_42 = arith.constant 0 : i32
      %dma_wait3A_43 = tpu.memref_slice %arg4[%add3A, %dma_wait3A_41, %dma_wait3A_42] : memref<32x80x128xi32, #tpu.memory_space<hbm>> -> memref<1x40x128xi32, #tpu.memory_space<hbm>>
      %dma_wait3A_44 = tpu.memref_squeeze %dma_wait3A_43 : memref<1x40x128xi32, #tpu.memory_space<hbm>> -> memref<40x128xi32, #tpu.memory_space<hbm>>
      %dma_wait3A_45 = arith.constant 40 : i32
      %dma_wait3A_46 = arith.constant 0 : i32
      %dma_wait3A_47 = tpu.memref_slice %arg4[%add3A, %dma_wait3A_45, %dma_wait3A_46] : memref<32x80x128xi32, #tpu.memory_space<hbm>> -> memref<1x40x128xi32, #tpu.memory_space<hbm>>
      %dma_wait3A_48 = tpu.memref_squeeze %dma_wait3A_47 : memref<1x40x128xi32, #tpu.memory_space<hbm>> -> memref<40x128xi32, #tpu.memory_space<hbm>>
      tpu.wait_dma2 semaphore(%run_scoped3A : memref<!tpu.dma_semaphore, #tpu.memory_space<semaphore_mem>>) src(%dma_wait3A_48 : memref<40x128xi32, #tpu.memory_space<hbm>>) dst(%arg8 : memref<40x128xi32, #tpu.memory_space<vmem>>)
      tpu.yield
    }) : () -> ()
    %dma_start3A_20 = arith.constant 0 : i32
    %dma_start3A_21 = arith.constant 0 : i32
    %dma_start3A_22 = tpu.memref_slice %arg7[%dma_start3A_20, %dma_start3A_21] : memref<40x128xi32, #tpu.memory_space<vmem>> -> memref<1x128xi32, #tpu.memory_space<vmem>>
    %dma_start3A_23 = tpu.memref_squeeze %dma_start3A_22 : memref<1x128xi32, #tpu.memory_space<vmem>> -> memref<128xi32, #tpu.memory_space<vmem>>
    %dma_start3A_24 = arith.constant 0 : i32
    %dma_start3A_25 = arith.constant 0 : i32
    %dma_start3A_26 = tpu.memref_slice %arg2[%dma_start3A_24, %dma_start3A_25] : memref<10000x128xf32, #tpu.memory_space<hbm>> -> memref<10000x128xf32, #tpu.memory_space<hbm>>
    tpu.enqueue_indirect_dma source(%dma_start3A_26 : memref<10000x128xf32, #tpu.memory_space<hbm>>) target(%arg9 : memref<128x128xf32, #tpu.memory_space<vmem>>) offsets(%dma_start3A_23 : memref<128xi32, #tpu.memory_space<vmem>>) semaphore(%arg12 : memref<!tpu.dma_semaphore, #tpu.memory_space<semaphore_mem>>)
    %scan3A_27 = arith.constant 0 : i32
    %scan3A_28 = arith.constant 20 : i32
    %scan3A_29 = arith.addi %scan3A_27, %scan3A_28 : i32
    %scan3A_30 = arith.constant 1 : i32
    scf.for %scan3A_33 = %scan3A_27 to %scan3A_29 step %scan3A_30  : i32 {
      %mul3A_34 = arith.constant 2 : i32
      %mul3A_35 = arith.muli %scan3A_33, %mul3A_34 : i32
      %add3A_36 = arith.constant 0 : i32
      %add3A_37 = arith.addi %add3A_36, %mul3A_35 : i32
      %add3A_38 = arith.constant 1 : i32
      %add3A_39 = arith.addi %add3A_37, %add3A_38 : i32
      %dma_start3A_40 = arith.constant 0 : i32
      %dma_start3A_41 = tpu.memref_slice %arg7[%add3A_39, %dma_start3A_40] : memref<40x128xi32, #tpu.memory_space<vmem>> -> memref<1x128xi32, #tpu.memory_space<vmem>>
      %dma_start3A_42 = tpu.memref_squeeze %dma_start3A_41 : memref<1x128xi32, #tpu.memory_space<vmem>> -> memref<128xi32, #tpu.memory_space<vmem>>
      %dma_start3A_43 = arith.constant 0 : i32
      %dma_start3A_44 = arith.constant 0 : i32
      %dma_start3A_45 = tpu.memref_slice %arg2[%dma_start3A_43, %dma_start3A_44] : memref<10000x128xf32, #tpu.memory_space<hbm>> -> memref<10000x128xf32, #tpu.memory_space<hbm>>
      tpu.enqueue_indirect_dma source(%dma_start3A_45 : memref<10000x128xf32, #tpu.memory_space<hbm>>) target(%arg10 : memref<128x128xf32, #tpu.memory_space<vmem>>) offsets(%dma_start3A_42 : memref<128xi32, #tpu.memory_space<vmem>>) semaphore(%arg13 : memref<!tpu.dma_semaphore, #tpu.memory_space<semaphore_mem>>)
      %dma_wait3A_46 = arith.constant 0 : i32
      %dma_wait3A_47 = arith.constant 0 : i32
      %dma_wait3A_48 = tpu.memref_slice %arg7[%dma_wait3A_46, %dma_wait3A_47] : memref<40x128xi32, #tpu.memory_space<vmem>> -> memref<1x128xi32, #tpu.memory_space<vmem>>
      %dma_wait3A_49 = tpu.memref_squeeze %dma_wait3A_48 : memref<1x128xi32, #tpu.memory_space<vmem>> -> memref<128xi32, #tpu.memory_space<vmem>>
      %dma_wait3A_50 = arith.constant 0 : i32
      %dma_wait3A_51 = arith.constant 0 : i32
      %dma_wait3A_52 = tpu.memref_slice %arg2[%dma_wait3A_50, %dma_wait3A_51] : memref<10000x128xf32, #tpu.memory_space<hbm>> -> memref<10000x128xf32, #tpu.memory_space<hbm>>
      tpu.wait_indirect_dma semaphore(%arg12 : memref<!tpu.dma_semaphore, #tpu.memory_space<semaphore_mem>>) src(%dma_wait3A_52 : memref<10000x128xf32, #tpu.memory_space<hbm>>) dst(%arg9 : memref<128x128xf32, #tpu.memory_space<vmem>>)
      "tpu.region"() ({
        %run_scoped3A = tpu.sem_alloc : memref<!tpu.dma_semaphore, #tpu.memory_space<semaphore_mem>>
        %dma_start3A_66 = arith.constant 0 : i32
        %dma_start3A_67 = tpu.memref_slice %arg8[%add3A_37, %dma_start3A_66] : memref<40x128xi32, #tpu.memory_space<vmem>> -> memref<1x128xi32, #tpu.memory_space<vmem>>
        %dma_start3A_68 = tpu.memref_squeeze %dma_start3A_67 : memref<1x128xi32, #tpu.memory_space<vmem>> -> memref<128xi32, #tpu.memory_space<vmem>>
        %dma_start3A_69 = arith.constant 0 : i32
        %dma_start3A_70 = arith.constant 0 : i32
        %dma_start3A_71 = tpu.memref_slice %arg11[%dma_start3A_69, %dma_start3A_70] : memref<10112x128xf32, #tpu.memory_space<vmem_shared>> -> memref<10112x128xf32, #tpu.memory_space<vmem_shared>>
        tpu.enqueue_indirect_dma source(%arg9 : memref<128x128xf32, #tpu.memory_space<vmem>>) target(%dma_start3A_71 : memref<10112x128xf32, #tpu.memory_space<vmem_shared>>) offsets(%dma_start3A_68 : memref<128xi32, #tpu.memory_space<vmem>>) semaphore(%run_scoped3A : memref<!tpu.dma_semaphore, #tpu.memory_space<semaphore_mem>>) {add = true}
        %dma_wait3A_72 = arith.constant 0 : i32
        %dma_wait3A_73 = tpu.memref_slice %arg8[%add3A_37, %dma_wait3A_72] : memref<40x128xi32, #tpu.memory_space<vmem>> -> memref<1x128xi32, #tpu.memory_space<vmem>>
        %dma_wait3A_74 = tpu.memref_squeeze %dma_wait3A_73 : memref<1x128xi32, #tpu.memory_space<vmem>> -> memref<128xi32, #tpu.memory_space<vmem>>
        %dma_wait3A_75 = arith.constant 0 : i32
        %dma_wait3A_76 = arith.constant 0 : i32
        %dma_wait3A_77 = tpu.memref_slice %arg11[%dma_wait3A_75, %dma_wait3A_76] : memref<10112x128xf32, #tpu.memory_space<vmem_shared>> -> memref<10112x128xf32, #tpu.memory_space<vmem_shared>>
        tpu.wait_indirect_dma semaphore(%run_scoped3A : memref<!tpu.dma_semaphore, #tpu.memory_space<semaphore_mem>>) src(%arg9 : memref<128x128xf32, #tpu.memory_space<vmem>>) dst(%dma_wait3A_77 : memref<10112x128xf32, #tpu.memory_space<vmem_shared>>)
        tpu.yield
      }) : () -> ()
      %add3A_53 = arith.constant 2 : i32
      %add3A_54 = arith.addi %add3A_37, %add3A_53 : i32
      %lt3A = arith.constant 40 : i32
      %lt3A_55 = arith.cmpi slt, %add3A_54, %lt3A : i32
      %convert_element_type3A = arith.extui %lt3A_55 : i1 to i32
      %cond3A = arith.constant 0 : i32
      %cond3A_56 = arith.cmpi ne, %convert_element_type3A, %cond3A : i32
      scf.if %cond3A_56 {
        %add3A_66 = arith.constant 2 : i32
        %add3A_67 = arith.addi %add3A_37, %add3A_66 : i32
        %dma_start3A_68 = arith.constant 0 : i32
        %dma_start3A_69 = tpu.memref_slice %arg7[%add3A_67, %dma_start3A_68] : memref<40x128xi32, #tpu.memory_space<vmem>> -> memref<1x128xi32, #tpu.memory_space<vmem>>
        %dma_start3A_70 = tpu.memref_squeeze %dma_start3A_69 : memref<1x128xi32, #tpu.memory_space<vmem>> -> memref<128xi32, #tpu.memory_space<vmem>>
        %dma_start3A_71 = arith.constant 0 : i32
        %dma_start3A_72 = arith.constant 0 : i32
        %dma_start3A_73 = tpu.memref_slice %arg2[%dma_start3A_71, %dma_start3A_72] : memref<10000x128xf32, #tpu.memory_space<hbm>> -> memref<10000x128xf32, #tpu.memory_space<hbm>>
        tpu.enqueue_indirect_dma source(%dma_start3A_73 : memref<10000x128xf32, #tpu.memory_space<hbm>>) target(%arg9 : memref<128x128xf32, #tpu.memory_space<vmem>>) offsets(%dma_start3A_70 : memref<128xi32, #tpu.memory_space<vmem>>) semaphore(%arg12 : memref<!tpu.dma_semaphore, #tpu.memory_space<semaphore_mem>>)
      } else {
      }
      %dma_wait3A_57 = arith.constant 0 : i32
      %dma_wait3A_58 = arith.constant 0 : i32
      %dma_wait3A_59 = tpu.memref_slice %arg7[%dma_wait3A_57, %dma_wait3A_58] : memref<40x128xi32, #tpu.memory_space<vmem>> -> memref<1x128xi32, #tpu.memory_space<vmem>>
      %dma_wait3A_60 = tpu.memref_squeeze %dma_wait3A_59 : memref<1x128xi32, #tpu.memory_space<vmem>> -> memref<128xi32, #tpu.memory_space<vmem>>
      %dma_wait3A_61 = arith.constant 0 : i32
      %dma_wait3A_62 = arith.constant 0 : i32
      %dma_wait3A_63 = tpu.memref_slice %arg2[%dma_wait3A_61, %dma_wait3A_62] : memref<10000x128xf32, #tpu.memory_space<hbm>> -> memref<10000x128xf32, #tpu.memory_space<hbm>>
      tpu.wait_indirect_dma semaphore(%arg13 : memref<!tpu.dma_semaphore, #tpu.memory_space<semaphore_mem>>) src(%dma_wait3A_63 : memref<10000x128xf32, #tpu.memory_space<hbm>>) dst(%arg10 : memref<128x128xf32, #tpu.memory_space<vmem>>)
      %add3A_64 = arith.constant 1 : i32
      %add3A_65 = arith.addi %add3A_37, %add3A_64 : i32
      "tpu.region"() ({
        %run_scoped3A = tpu.sem_alloc : memref<!tpu.dma_semaphore, #tpu.memory_space<semaphore_mem>>
        %dma_start3A_66 = arith.constant 0 : i32
        %dma_start3A_67 = tpu.memref_slice %arg8[%add3A_65, %dma_start3A_66] : memref<40x128xi32, #tpu.memory_space<vmem>> -> memref<1x128xi32, #tpu.memory_space<vmem>>
        %dma_start3A_68 = tpu.memref_squeeze %dma_start3A_67 : memref<1x128xi32, #tpu.memory_space<vmem>> -> memref<128xi32, #tpu.memory_space<vmem>>
        %dma_start3A_69 = arith.constant 0 : i32
        %dma_start3A_70 = arith.constant 0 : i32
        %dma_start3A_71 = tpu.memref_slice %arg11[%dma_start3A_69, %dma_start3A_70] : memref<10112x128xf32, #tpu.memory_space<vmem_shared>> -> memref<10112x128xf32, #tpu.memory_space<vmem_shared>>
        tpu.enqueue_indirect_dma source(%arg10 : memref<128x128xf32, #tpu.memory_space<vmem>>) target(%dma_start3A_71 : memref<10112x128xf32, #tpu.memory_space<vmem_shared>>) offsets(%dma_start3A_68 : memref<128xi32, #tpu.memory_space<vmem>>) semaphore(%run_scoped3A : memref<!tpu.dma_semaphore, #tpu.memory_space<semaphore_mem>>) {add = true}
        %dma_wait3A_72 = arith.constant 0 : i32
        %dma_wait3A_73 = tpu.memref_slice %arg8[%add3A_65, %dma_wait3A_72] : memref<40x128xi32, #tpu.memory_space<vmem>> -> memref<1x128xi32, #tpu.memory_space<vmem>>
        %dma_wait3A_74 = tpu.memref_squeeze %dma_wait3A_73 : memref<1x128xi32, #tpu.memory_space<vmem>> -> memref<128xi32, #tpu.memory_space<vmem>>
        %dma_wait3A_75 = arith.constant 0 : i32
        %dma_wait3A_76 = arith.constant 0 : i32
        %dma_wait3A_77 = tpu.memref_slice %arg11[%dma_wait3A_75, %dma_wait3A_76] : memref<10112x128xf32, #tpu.memory_space<vmem_shared>> -> memref<10112x128xf32, #tpu.memory_space<vmem_shared>>
        tpu.wait_indirect_dma semaphore(%run_scoped3A : memref<!tpu.dma_semaphore, #tpu.memory_space<semaphore_mem>>) src(%arg10 : memref<128x128xf32, #tpu.memory_space<vmem>>) dst(%dma_wait3A_77 : memref<10112x128xf32, #tpu.memory_space<vmem_shared>>)
        tpu.yield
      }) : () -> ()
    }
    %scan3A_31 = arith.constant 20 : i32
    %barrier3A_32 = arith.constant 0 : index
    tpu.barrier barrier_id(%barrier3A_32)
    "tpu.region"() ({
      %run_scoped3A = tpu.sem_alloc : memref<!tpu.dma_semaphore, #tpu.memory_space<semaphore_mem>>
      %dma_start3A_33 = arith.constant 0 : i32
      %dma_start3A_34 = tpu.memref_slice %arg6[%arg0, %mul3A_2, %dma_start3A_33] : memref<2x10112x128xf32, #tpu.memory_space<hbm>> -> memref<1x632x128xf32, #tpu.memory_space<hbm>>
      %dma_start3A_35 = tpu.memref_squeeze %dma_start3A_34 : memref<1x632x128xf32, #tpu.memory_space<hbm>> -> memref<632x128xf32, #tpu.memory_space<hbm>>
      %dma_start3A_36 = arith.constant 0 : i32
      %dma_start3A_37 = tpu.memref_slice %arg11[%mul3A_2, %dma_start3A_36] : memref<10112x128xf32, #tpu.memory_space<vmem_shared>> -> memref<632x128xf32, #tpu.memory_space<vmem_shared>>
      tpu.enqueue_dma source(%dma_start3A_37 : memref<632x128xf32, #tpu.memory_space<vmem_shared>>) target(%dma_start3A_35 : memref<632x128xf32, #tpu.memory_space<hbm>>) target_semaphore(%run_scoped3A : memref<!tpu.dma_semaphore, #tpu.memory_space<semaphore_mem>>)
      %dma_wait3A_38 = arith.constant 0 : i32
      %dma_wait3A_39 = tpu.memref_slice %arg6[%arg0, %mul3A_2, %dma_wait3A_38] : memref<2x10112x128xf32, #tpu.memory_space<hbm>> -> memref<1x632x128xf32, #tpu.memory_space<hbm>>
      %dma_wait3A_40 = tpu.memref_squeeze %dma_wait3A_39 : memref<1x632x128xf32, #tpu.memory_space<hbm>> -> memref<632x128xf32, #tpu.memory_space<hbm>>
      %dma_wait3A_41 = arith.constant 0 : i32
      %dma_wait3A_42 = tpu.memref_slice %arg11[%mul3A_2, %dma_wait3A_41] : memref<10112x128xf32, #tpu.memory_space<vmem_shared>> -> memref<632x128xf32, #tpu.memory_space<vmem_shared>>
      tpu.wait_dma2 semaphore(%run_scoped3A : memref<!tpu.dma_semaphore, #tpu.memory_space<semaphore_mem>>) src(%dma_wait3A_42 : memref<632x128xf32, #tpu.memory_space<vmem_shared>>) dst(%dma_wait3A_40 : memref<632x128xf32, #tpu.memory_space<hbm>>)
      tpu.yield
    }) : () -> ()
    return
  }
}

module attributes {stable_mosaic.version = 14 : i64} {
  func.func @body(%arg0: memref<10000x128xf32, #tpu.memory_space<vmem>>, %arg1: memref<128x128xf32, #tpu.memory_space<vmem>>, %arg2: memref<128x128xf32, #tpu.memory_space<vmem>>, %arg3: memref<1x128xf32, #tpu.memory_space<vmem>>, %arg4: memref<10000x128xf32, #tpu.memory_space<vmem>>, %arg5: memref<10000x128xf32, #tpu.memory_space<vmem>>) attributes {dimension_semantics = [], scalar_prefetch = 0 : i64, scratch_operands = 0 : i64, tpu.core_type = #tpu.core_type<tc>} {
    %get3A = arith.constant 0 : index
    %get3A_0 = arith.constant 0 : index
    %get3A_1 = vector.load %arg0[%get3A, %get3A_0] : memref<10000x128xf32, #tpu.memory_space<vmem>>, vector<10000x128xf32>
    %add3A = arith.constant 1.000000e+00 : f32
    %add3A_2 = vector.broadcast %add3A : f32 to vector<10000x128xf32>
    %add3A_3 = arith.addf %get3A_1, %add3A_2 : vector<10000x128xf32>
    %log3A = math.log %add3A_3 : vector<10000x128xf32>
    %get3A_4 = arith.constant 0 : index
    %get3A_5 = arith.constant 0 : index
    %get3A_6 = vector.load %arg1[%get3A_4, %get3A_5] : memref<128x128xf32, #tpu.memory_space<vmem>>, vector<128x128xf32>
    %dot_general3A = arith.constant dense<0.000000e+00> : vector<10000x128xf32>
    %dot_general3A_7 = tpu.matmul %log3A, %get3A_6, %dot_general3A {dimension_numbers = #tpu.dot_dimension_numbers<[1], [0], [0], [1], [0, 0, 1, 1], [], []>, transpose_lhs_hint = false} : vector<10000x128xf32>, vector<128x128xf32>, vector<10000x128xf32> -> vector<10000x128xf32>
    %swap3A = arith.constant 0 : index
    %swap3A_8 = arith.constant 0 : index
    %swap3A_9 = vector.load %arg4[%swap3A, %swap3A_8] : memref<10000x128xf32, #tpu.memory_space<vmem>>, vector<10000x128xf32>
    tpu.vector_store %arg4[%swap3A, %swap3A_8], %dot_general3A_7 {strides = array<i32>} : memref<10000x128xf32, #tpu.memory_space<vmem>>, vector<10000x128xf32>,
    %get3A_10 = arith.constant 0 : index
    %get3A_11 = arith.constant 0 : index
    %get3A_12 = vector.load %arg2[%get3A_10, %get3A_11] : memref<128x128xf32, #tpu.memory_space<vmem>>, vector<128x128xf32>
    %dot_general3A_13 = arith.constant dense<0.000000e+00> : vector<10000x128xf32>
    %dot_general3A_14 = tpu.matmul %log3A, %get3A_12, %dot_general3A_13 {dimension_numbers = #tpu.dot_dimension_numbers<[1], [0], [0], [1], [0, 0, 1, 1], [], []>, transpose_lhs_hint = false} : vector<10000x128xf32>, vector<128x128xf32>, vector<10000x128xf32> -> vector<10000x128xf32>
    %get3A_15 = arith.constant 0 : index
    %get3A_16 = arith.constant 0 : index
    %get3A_17 = vector.load %arg3[%get3A_15, %get3A_16] : memref<1x128xf32, #tpu.memory_space<vmem>>, vector<1x128xf32>
    %add3A_18 = vector.broadcast %get3A_17 : vector<1x128xf32> to vector<10000x128xf32>
    %add3A_19 = arith.addf %dot_general3A_14, %add3A_18 : vector<10000x128xf32>
    %swap3A_20 = arith.constant 0 : index
    %swap3A_21 = arith.constant 0 : index
    %swap3A_22 = vector.load %arg5[%swap3A_20, %swap3A_21] : memref<10000x128xf32, #tpu.memory_space<vmem>>, vector<10000x128xf32>
    tpu.vector_store %arg5[%swap3A_20, %swap3A_21], %add3A_19 {strides = array<i32>} : memref<10000x128xf32, #tpu.memory_space<vmem>>, vector<10000x128xf32>,
    return
  }
}

module attributes {stable_mosaic.version = 14 : i64} {
  func.func @body(%arg0: memref<32x79x128xf32, #tpu.memory_space<vmem>>, %arg1: memref<10000x1xf32, #tpu.memory_space<vmem>>) attributes {dimension_semantics = [], scalar_prefetch = 0 : i64, scratch_operands = 0 : i64, tpu.core_type = #tpu.core_type<tc>} {
    %get3A = arith.constant 0 : index
    %get3A_0 = arith.constant 0 : index
    %get3A_1 = arith.constant 0 : index
    %get3A_2 = vector.load %arg0[%get3A, %get3A_0, %get3A_1] : memref<32x79x128xf32, #tpu.memory_space<vmem>>, vector<32x79x128xf32>
    %reduce_sum3A = arith.constant dense<0.000000e+00> : vector<79x128xf32>
    %reduce_sum3A_3 = vector.multi_reduction <add>, %get3A_2, %reduce_sum3A [0] : vector<32x79x128xf32> to vector<79x128xf32>
    %transpose3A = tpu.transpose %reduce_sum3A_3, [1, 0] : vector<79x128xf32> -> vector<128x79xf32>
    %slice3A = vector.extract_strided_slice %transpose3A {offsets = [0, 0], sizes = [128, 1], strides = [1, 1]} : vector<128x79xf32> to vector<128x1xf32>
    %slice3A_4 = vector.extract_strided_slice %transpose3A {offsets = [0, 1], sizes = [128, 1], strides = [1, 1]} : vector<128x79xf32> to vector<128x1xf32>
    %slice3A_5 = vector.extract_strided_slice %transpose3A {offsets = [0, 2], sizes = [128, 1], strides = [1, 1]} : vector<128x79xf32> to vector<128x1xf32>
    %slice3A_6 = vector.extract_strided_slice %transpose3A {offsets = [0, 3], sizes = [128, 1], strides = [1, 1]} : vector<128x79xf32> to vector<128x1xf32>
    %slice3A_7 = vector.extract_strided_slice %transpose3A {offsets = [0, 4], sizes = [128, 1], strides = [1, 1]} : vector<128x79xf32> to vector<128x1xf32>
    %slice3A_8 = vector.extract_strided_slice %transpose3A {offsets = [0, 5], sizes = [128, 1], strides = [1, 1]} : vector<128x79xf32> to vector<128x1xf32>
    %slice3A_9 = vector.extract_strided_slice %transpose3A {offsets = [0, 6], sizes = [128, 1], strides = [1, 1]} : vector<128x79xf32> to vector<128x1xf32>
    %slice3A_10 = vector.extract_strided_slice %transpose3A {offsets = [0, 7], sizes = [128, 1], strides = [1, 1]} : vector<128x79xf32> to vector<128x1xf32>
    %slice3A_11 = vector.extract_strided_slice %transpose3A {offsets = [0, 8], sizes = [128, 1], strides = [1, 1]} : vector<128x79xf32> to vector<128x1xf32>
    %slice3A_12 = vector.extract_strided_slice %transpose3A {offsets = [0, 9], sizes = [128, 1], strides = [1, 1]} : vector<128x79xf32> to vector<128x1xf32>
    %slice3A_13 = vector.extract_strided_slice %transpose3A {offsets = [0, 10], sizes = [128, 1], strides = [1, 1]} : vector<128x79xf32> to vector<128x1xf32>
    %slice3A_14 = vector.extract_strided_slice %transpose3A {offsets = [0, 11], sizes = [128, 1], strides = [1, 1]} : vector<128x79xf32> to vector<128x1xf32>
    %slice3A_15 = vector.extract_strided_slice %transpose3A {offsets = [0, 12], sizes = [128, 1], strides = [1, 1]} : vector<128x79xf32> to vector<128x1xf32>
    %slice3A_16 = vector.extract_strided_slice %transpose3A {offsets = [0, 13], sizes = [128, 1], strides = [1, 1]} : vector<128x79xf32> to vector<128x1xf32>
    %slice3A_17 = vector.extract_strided_slice %transpose3A {offsets = [0, 14], sizes = [128, 1], strides = [1, 1]} : vector<128x79xf32> to vector<128x1xf32>
    %slice3A_18 = vector.extract_strided_slice %transpose3A {offsets = [0, 15], sizes = [128, 1], strides = [1, 1]} : vector<128x79xf32> to vector<128x1xf32>
    %slice3A_19 = vector.extract_strided_slice %transpose3A {offsets = [0, 16], sizes = [128, 1], strides = [1, 1]} : vector<128x79xf32> to vector<128x1xf32>
    %slice3A_20 = vector.extract_strided_slice %transpose3A {offsets = [0, 17], sizes = [128, 1], strides = [1, 1]} : vector<128x79xf32> to vector<128x1xf32>
    %slice3A_21 = vector.extract_strided_slice %transpose3A {offsets = [0, 18], sizes = [128, 1], strides = [1, 1]} : vector<128x79xf32> to vector<128x1xf32>
    %slice3A_22 = vector.extract_strided_slice %transpose3A {offsets = [0, 19], sizes = [128, 1], strides = [1, 1]} : vector<128x79xf32> to vector<128x1xf32>
    %slice3A_23 = vector.extract_strided_slice %transpose3A {offsets = [0, 20], sizes = [128, 1], strides = [1, 1]} : vector<128x79xf32> to vector<128x1xf32>
    %slice3A_24 = vector.extract_strided_slice %transpose3A {offsets = [0, 21], sizes = [128, 1], strides = [1, 1]} : vector<128x79xf32> to vector<128x1xf32>
    %slice3A_25 = vector.extract_strided_slice %transpose3A {offsets = [0, 22], sizes = [128, 1], strides = [1, 1]} : vector<128x79xf32> to vector<128x1xf32>
    %slice3A_26 = vector.extract_strided_slice %transpose3A {offsets = [0, 23], sizes = [128, 1], strides = [1, 1]} : vector<128x79xf32> to vector<128x1xf32>
    %slice3A_27 = vector.extract_strided_slice %transpose3A {offsets = [0, 24], sizes = [128, 1], strides = [1, 1]} : vector<128x79xf32> to vector<128x1xf32>
    %slice3A_28 = vector.extract_strided_slice %transpose3A {offsets = [0, 25], sizes = [128, 1], strides = [1, 1]} : vector<128x79xf32> to vector<128x1xf32>
    %slice3A_29 = vector.extract_strided_slice %transpose3A {offsets = [0, 26], sizes = [128, 1], strides = [1, 1]} : vector<128x79xf32> to vector<128x1xf32>
    %slice3A_30 = vector.extract_strided_slice %transpose3A {offsets = [0, 27], sizes = [128, 1], strides = [1, 1]} : vector<128x79xf32> to vector<128x1xf32>
    %slice3A_31 = vector.extract_strided_slice %transpose3A {offsets = [0, 28], sizes = [128, 1], strides = [1, 1]} : vector<128x79xf32> to vector<128x1xf32>
    %slice3A_32 = vector.extract_strided_slice %transpose3A {offsets = [0, 29], sizes = [128, 1], strides = [1, 1]} : vector<128x79xf32> to vector<128x1xf32>
    %slice3A_33 = vector.extract_strided_slice %transpose3A {offsets = [0, 30], sizes = [128, 1], strides = [1, 1]} : vector<128x79xf32> to vector<128x1xf32>
    %slice3A_34 = vector.extract_strided_slice %transpose3A {offsets = [0, 31], sizes = [128, 1], strides = [1, 1]} : vector<128x79xf32> to vector<128x1xf32>
    %slice3A_35 = vector.extract_strided_slice %transpose3A {offsets = [0, 32], sizes = [128, 1], strides = [1, 1]} : vector<128x79xf32> to vector<128x1xf32>
    %slice3A_36 = vector.extract_strided_slice %transpose3A {offsets = [0, 33], sizes = [128, 1], strides = [1, 1]} : vector<128x79xf32> to vector<128x1xf32>
    %slice3A_37 = vector.extract_strided_slice %transpose3A {offsets = [0, 34], sizes = [128, 1], strides = [1, 1]} : vector<128x79xf32> to vector<128x1xf32>
    %slice3A_38 = vector.extract_strided_slice %transpose3A {offsets = [0, 35], sizes = [128, 1], strides = [1, 1]} : vector<128x79xf32> to vector<128x1xf32>
    %slice3A_39 = vector.extract_strided_slice %transpose3A {offsets = [0, 36], sizes = [128, 1], strides = [1, 1]} : vector<128x79xf32> to vector<128x1xf32>
    %slice3A_40 = vector.extract_strided_slice %transpose3A {offsets = [0, 37], sizes = [128, 1], strides = [1, 1]} : vector<128x79xf32> to vector<128x1xf32>
    %slice3A_41 = vector.extract_strided_slice %transpose3A {offsets = [0, 38], sizes = [128, 1], strides = [1, 1]} : vector<128x79xf32> to vector<128x1xf32>
    %slice3A_42 = vector.extract_strided_slice %transpose3A {offsets = [0, 39], sizes = [128, 1], strides = [1, 1]} : vector<128x79xf32> to vector<128x1xf32>
    %slice3A_43 = vector.extract_strided_slice %transpose3A {offsets = [0, 40], sizes = [128, 1], strides = [1, 1]} : vector<128x79xf32> to vector<128x1xf32>
    %slice3A_44 = vector.extract_strided_slice %transpose3A {offsets = [0, 41], sizes = [128, 1], strides = [1, 1]} : vector<128x79xf32> to vector<128x1xf32>
    %slice3A_45 = vector.extract_strided_slice %transpose3A {offsets = [0, 42], sizes = [128, 1], strides = [1, 1]} : vector<128x79xf32> to vector<128x1xf32>
    %slice3A_46 = vector.extract_strided_slice %transpose3A {offsets = [0, 43], sizes = [128, 1], strides = [1, 1]} : vector<128x79xf32> to vector<128x1xf32>
    %slice3A_47 = vector.extract_strided_slice %transpose3A {offsets = [0, 44], sizes = [128, 1], strides = [1, 1]} : vector<128x79xf32> to vector<128x1xf32>
    %slice3A_48 = vector.extract_strided_slice %transpose3A {offsets = [0, 45], sizes = [128, 1], strides = [1, 1]} : vector<128x79xf32> to vector<128x1xf32>
    %slice3A_49 = vector.extract_strided_slice %transpose3A {offsets = [0, 46], sizes = [128, 1], strides = [1, 1]} : vector<128x79xf32> to vector<128x1xf32>
    %slice3A_50 = vector.extract_strided_slice %transpose3A {offsets = [0, 47], sizes = [128, 1], strides = [1, 1]} : vector<128x79xf32> to vector<128x1xf32>
    %slice3A_51 = vector.extract_strided_slice %transpose3A {offsets = [0, 48], sizes = [128, 1], strides = [1, 1]} : vector<128x79xf32> to vector<128x1xf32>
    %slice3A_52 = vector.extract_strided_slice %transpose3A {offsets = [0, 49], sizes = [128, 1], strides = [1, 1]} : vector<128x79xf32> to vector<128x1xf32>
    %slice3A_53 = vector.extract_strided_slice %transpose3A {offsets = [0, 50], sizes = [128, 1], strides = [1, 1]} : vector<128x79xf32> to vector<128x1xf32>
    %slice3A_54 = vector.extract_strided_slice %transpose3A {offsets = [0, 51], sizes = [128, 1], strides = [1, 1]} : vector<128x79xf32> to vector<128x1xf32>
    %slice3A_55 = vector.extract_strided_slice %transpose3A {offsets = [0, 52], sizes = [128, 1], strides = [1, 1]} : vector<128x79xf32> to vector<128x1xf32>
    %slice3A_56 = vector.extract_strided_slice %transpose3A {offsets = [0, 53], sizes = [128, 1], strides = [1, 1]} : vector<128x79xf32> to vector<128x1xf32>
    %slice3A_57 = vector.extract_strided_slice %transpose3A {offsets = [0, 54], sizes = [128, 1], strides = [1, 1]} : vector<128x79xf32> to vector<128x1xf32>
    %slice3A_58 = vector.extract_strided_slice %transpose3A {offsets = [0, 55], sizes = [128, 1], strides = [1, 1]} : vector<128x79xf32> to vector<128x1xf32>
    %slice3A_59 = vector.extract_strided_slice %transpose3A {offsets = [0, 56], sizes = [128, 1], strides = [1, 1]} : vector<128x79xf32> to vector<128x1xf32>
    %slice3A_60 = vector.extract_strided_slice %transpose3A {offsets = [0, 57], sizes = [128, 1], strides = [1, 1]} : vector<128x79xf32> to vector<128x1xf32>
    %slice3A_61 = vector.extract_strided_slice %transpose3A {offsets = [0, 58], sizes = [128, 1], strides = [1, 1]} : vector<128x79xf32> to vector<128x1xf32>
    %slice3A_62 = vector.extract_strided_slice %transpose3A {offsets = [0, 59], sizes = [128, 1], strides = [1, 1]} : vector<128x79xf32> to vector<128x1xf32>
    %slice3A_63 = vector.extract_strided_slice %transpose3A {offsets = [0, 60], sizes = [128, 1], strides = [1, 1]} : vector<128x79xf32> to vector<128x1xf32>
    %slice3A_64 = vector.extract_strided_slice %transpose3A {offsets = [0, 61], sizes = [128, 1], strides = [1, 1]} : vector<128x79xf32> to vector<128x1xf32>
    %slice3A_65 = vector.extract_strided_slice %transpose3A {offsets = [0, 62], sizes = [128, 1], strides = [1, 1]} : vector<128x79xf32> to vector<128x1xf32>
    %slice3A_66 = vector.extract_strided_slice %transpose3A {offsets = [0, 63], sizes = [128, 1], strides = [1, 1]} : vector<128x79xf32> to vector<128x1xf32>
    %slice3A_67 = vector.extract_strided_slice %transpose3A {offsets = [0, 64], sizes = [128, 1], strides = [1, 1]} : vector<128x79xf32> to vector<128x1xf32>
    %slice3A_68 = vector.extract_strided_slice %transpose3A {offsets = [0, 65], sizes = [128, 1], strides = [1, 1]} : vector<128x79xf32> to vector<128x1xf32>
    %slice3A_69 = vector.extract_strided_slice %transpose3A {offsets = [0, 66], sizes = [128, 1], strides = [1, 1]} : vector<128x79xf32> to vector<128x1xf32>
    %slice3A_70 = vector.extract_strided_slice %transpose3A {offsets = [0, 67], sizes = [128, 1], strides = [1, 1]} : vector<128x79xf32> to vector<128x1xf32>
    %slice3A_71 = vector.extract_strided_slice %transpose3A {offsets = [0, 68], sizes = [128, 1], strides = [1, 1]} : vector<128x79xf32> to vector<128x1xf32>
    %slice3A_72 = vector.extract_strided_slice %transpose3A {offsets = [0, 69], sizes = [128, 1], strides = [1, 1]} : vector<128x79xf32> to vector<128x1xf32>
    %slice3A_73 = vector.extract_strided_slice %transpose3A {offsets = [0, 70], sizes = [128, 1], strides = [1, 1]} : vector<128x79xf32> to vector<128x1xf32>
    %slice3A_74 = vector.extract_strided_slice %transpose3A {offsets = [0, 71], sizes = [128, 1], strides = [1, 1]} : vector<128x79xf32> to vector<128x1xf32>
    %slice3A_75 = vector.extract_strided_slice %transpose3A {offsets = [0, 72], sizes = [128, 1], strides = [1, 1]} : vector<128x79xf32> to vector<128x1xf32>
    %slice3A_76 = vector.extract_strided_slice %transpose3A {offsets = [0, 73], sizes = [128, 1], strides = [1, 1]} : vector<128x79xf32> to vector<128x1xf32>
    %slice3A_77 = vector.extract_strided_slice %transpose3A {offsets = [0, 74], sizes = [128, 1], strides = [1, 1]} : vector<128x79xf32> to vector<128x1xf32>
    %slice3A_78 = vector.extract_strided_slice %transpose3A {offsets = [0, 75], sizes = [128, 1], strides = [1, 1]} : vector<128x79xf32> to vector<128x1xf32>
    %slice3A_79 = vector.extract_strided_slice %transpose3A {offsets = [0, 76], sizes = [128, 1], strides = [1, 1]} : vector<128x79xf32> to vector<128x1xf32>
    %slice3A_80 = vector.extract_strided_slice %transpose3A {offsets = [0, 77], sizes = [128, 1], strides = [1, 1]} : vector<128x79xf32> to vector<128x1xf32>
    %slice3A_81 = vector.extract_strided_slice %transpose3A {offsets = [0, 78], sizes = [128, 1], strides = [1, 1]} : vector<128x79xf32> to vector<128x1xf32>
    %concatenate3A = tpu.concatenate %slice3A, %slice3A_4, %slice3A_5, %slice3A_6, %slice3A_7, %slice3A_8, %slice3A_9, %slice3A_10, %slice3A_11, %slice3A_12, %slice3A_13, %slice3A_14, %slice3A_15, %slice3A_16, %slice3A_17, %slice3A_18, %slice3A_19, %slice3A_20, %slice3A_21, %slice3A_22, %slice3A_23, %slice3A_24, %slice3A_25, %slice3A_26, %slice3A_27, %slice3A_28, %slice3A_29, %slice3A_30, %slice3A_31, %slice3A_32, %slice3A_33, %slice3A_34, %slice3A_35, %slice3A_36, %slice3A_37, %slice3A_38, %slice3A_39, %slice3A_40, %slice3A_41, %slice3A_42, %slice3A_43, %slice3A_44, %slice3A_45, %slice3A_46, %slice3A_47, %slice3A_48, %slice3A_49, %slice3A_50, %slice3A_51, %slice3A_52, %slice3A_53, %slice3A_54, %slice3A_55, %slice3A_56, %slice3A_57, %slice3A_58, %slice3A_59, %slice3A_60, %slice3A_61, %slice3A_62, %slice3A_63, %slice3A_64, %slice3A_65, %slice3A_66, %slice3A_67, %slice3A_68, %slice3A_69, %slice3A_70, %slice3A_71, %slice3A_72, %slice3A_73, %slice3A_74, %slice3A_75, %slice3A_76, %slice3A_77, %slice3A_78, %slice3A_79, %slice3A_80, %slice3A_81 in 0 : vector<128x1xf32>, vector<128x1xf32>, vector<128x1xf32>, vector<128x1xf32>, vector<128x1xf32>, vector<128x1xf32>, vector<128x1xf32>, vector<128x1xf32>, vector<128x1xf32>, vector<128x1xf32>, vector<128x1xf32>, vector<128x1xf32>, vector<128x1xf32>, vector<128x1xf32>, vector<128x1xf32>, vector<128x1xf32>, vector<128x1xf32>, vector<128x1xf32>, vector<128x1xf32>, vector<128x1xf32>, vector<128x1xf32>, vector<128x1xf32>, vector<128x1xf32>, vector<128x1xf32>, vector<128x1xf32>, vector<128x1xf32>, vector<128x1xf32>, vector<128x1xf32>, vector<128x1xf32>, vector<128x1xf32>, vector<128x1xf32>, vector<128x1xf32>, vector<128x1xf32>, vector<128x1xf32>, vector<128x1xf32>, vector<128x1xf32>, vector<128x1xf32>, vector<128x1xf32>, vector<128x1xf32>, vector<128x1xf32>, vector<128x1xf32>, vector<128x1xf32>, vector<128x1xf32>, vector<128x1xf32>, vector<128x1xf32>, vector<128x1xf32>, vector<128x1xf32>, vector<128x1xf32>, vector<128x1xf32>, vector<128x1xf32>, vector<128x1xf32>, vector<128x1xf32>, vector<128x1xf32>, vector<128x1xf32>, vector<128x1xf32>, vector<128x1xf32>, vector<128x1xf32>, vector<128x1xf32>, vector<128x1xf32>, vector<128x1xf32>, vector<128x1xf32>, vector<128x1xf32>, vector<128x1xf32>, vector<128x1xf32>, vector<128x1xf32>, vector<128x1xf32>, vector<128x1xf32>, vector<128x1xf32>, vector<128x1xf32>, vector<128x1xf32>, vector<128x1xf32>, vector<128x1xf32>, vector<128x1xf32>, vector<128x1xf32>, vector<128x1xf32>, vector<128x1xf32>, vector<128x1xf32>, vector<128x1xf32>, vector<128x1xf32> -> vector<10112x1xf32>
    %slice3A_82 = vector.extract_strided_slice %concatenate3A {offsets = [0, 0], sizes = [10000, 1], strides = [1, 1]} : vector<10112x1xf32> to vector<10000x1xf32>
    %max3A = arith.constant 1.000000e+00 : f32
    %max3A_83 = vector.broadcast %max3A : f32 to vector<10000x1xf32>
    %max3A_84 = arith.maximumf %slice3A_82, %max3A_83 : vector<10000x1xf32>
    %div3A = arith.constant 1.000000e+00 : f32
    %div3A_85 = vector.broadcast %div3A : f32 to vector<10000x1xf32>
    %div3A_86 = arith.divf %div3A_85, %max3A_84 : vector<10000x1xf32>
    %swap3A = arith.constant 0 : index
    %swap3A_87 = arith.constant 0 : index
    %swap3A_88 = vector.load %arg1[%swap3A, %swap3A_87] : memref<10000x1xf32, #tpu.memory_space<vmem>>, vector<10000x1xf32>
    tpu.vector_store %arg1[%swap3A, %swap3A_87], %div3A_86 {strides = array<i32>} : memref<10000x1xf32, #tpu.memory_space<vmem>>, vector<10000x1xf32>,
    return
  }
}

module attributes {stable_mosaic.version = 14 : i64} {
  func.func @body(%arg0: memref<10000x128xf32, #tpu.memory_space<vmem>>, %arg1: memref<2x10112x128xf32, #tpu.memory_space<vmem>>, %arg2: memref<10000x1xf32, #tpu.memory_space<vmem>>, %arg3: memref<128x128xf32, #tpu.memory_space<vmem>>, %arg4: memref<128x128xf32, #tpu.memory_space<vmem>>, %arg5: memref<1x128xf32, #tpu.memory_space<vmem>>, %arg6: memref<10000x128xf32, #tpu.memory_space<vmem>>, %arg7: memref<10000x128xf32, #tpu.memory_space<vmem>>) attributes {dimension_semantics = [], scalar_prefetch = 0 : i64, scratch_operands = 0 : i64, tpu.core_type = #tpu.core_type<tc>} {
    %get3A = arith.constant 0 : index
    %get3A_0 = arith.constant 0 : index
    %get3A_1 = vector.load %arg2[%get3A, %get3A_0] : memref<10000x1xf32, #tpu.memory_space<vmem>>, vector<10000x1xf32>
    %get3A_2 = arith.constant 0 : index
    %get3A_3 = arith.constant 0 : index
    %get3A_4 = arith.constant 0 : index
    %get3A_5 = vector.load %arg1[%get3A_2, %get3A_3, %get3A_4] : memref<2x10112x128xf32, #tpu.memory_space<vmem>>, vector<1x10000x128xf32>
    %get3A_6 = vector.shape_cast %get3A_5 : vector<1x10000x128xf32> to vector<10000x128xf32>
    %get3A_7 = arith.constant 1 : index
    %get3A_8 = arith.constant 0 : index
    %get3A_9 = arith.constant 0 : index
    %get3A_10 = vector.load %arg1[%get3A_7, %get3A_8, %get3A_9] : memref<2x10112x128xf32, #tpu.memory_space<vmem>>, vector<1x10000x128xf32>
    %get3A_11 = vector.shape_cast %get3A_10 : vector<1x10000x128xf32> to vector<10000x128xf32>
    %add3A = arith.addf %get3A_6, %get3A_11 : vector<10000x128xf32>
    %get3A_12 = arith.constant 0 : index
    %get3A_13 = arith.constant 0 : index
    %get3A_14 = vector.load %arg0[%get3A_12, %get3A_13] : memref<10000x128xf32, #tpu.memory_space<vmem>>, vector<10000x128xf32>
    %mul3A = vector.broadcast %get3A_1 : vector<10000x1xf32> to vector<10000x128xf32>
    %mul3A_15 = arith.mulf %add3A, %mul3A : vector<10000x128xf32>
    %add3A_16 = arith.addf %get3A_14, %mul3A_15 : vector<10000x128xf32>
    %max3A = arith.constant 0.000000e+00 : f32
    %max3A_17 = vector.broadcast %max3A : f32 to vector<10000x128xf32>
    %max3A_18 = arith.maximumf %add3A_16, %max3A_17 : vector<10000x128xf32>
    %mul3A_19 = arith.mulf %max3A_18, %max3A_18 : vector<10000x128xf32>
    %reduce_sum3A = arith.constant dense<0.000000e+00> : vector<10000xf32>
    %reduce_sum3A_20 = vector.multi_reduction <add>, %mul3A_19, %reduce_sum3A [1] : vector<10000x128xf32> to vector<10000xf32>
    %broadcast_in_dim3A = vector.shape_cast %reduce_sum3A_20 : vector<10000xf32> to vector<10000x1xf32>
    %sqrt3A = math.sqrt %broadcast_in_dim3A : vector<10000x1xf32>
    %max3A_21 = arith.constant 9.99999996E-13 : f32
    %max3A_22 = vector.broadcast %max3A_21 : f32 to vector<10000x1xf32>
    %max3A_23 = arith.maximumf %sqrt3A, %max3A_22 : vector<10000x1xf32>
    %div3A = vector.broadcast %max3A_23 : vector<10000x1xf32> to vector<10000x128xf32>
    %div3A_24 = arith.divf %max3A_18, %div3A : vector<10000x128xf32>
    %get3A_25 = arith.constant 0 : index
    %get3A_26 = arith.constant 0 : index
    %get3A_27 = vector.load %arg3[%get3A_25, %get3A_26] : memref<128x128xf32, #tpu.memory_space<vmem>>, vector<128x128xf32>
    %dot_general3A = arith.constant dense<0.000000e+00> : vector<10000x128xf32>
    %dot_general3A_28 = tpu.matmul %div3A_24, %get3A_27, %dot_general3A {dimension_numbers = #tpu.dot_dimension_numbers<[1], [0], [0], [1], [0, 0, 1, 1], [], []>, transpose_lhs_hint = false} : vector<10000x128xf32>, vector<128x128xf32>, vector<10000x128xf32> -> vector<10000x128xf32>
    %swap3A = arith.constant 0 : index
    %swap3A_29 = arith.constant 0 : index
    %swap3A_30 = vector.load %arg6[%swap3A, %swap3A_29] : memref<10000x128xf32, #tpu.memory_space<vmem>>, vector<10000x128xf32>
    tpu.vector_store %arg6[%swap3A, %swap3A_29], %dot_general3A_28 {strides = array<i32>} : memref<10000x128xf32, #tpu.memory_space<vmem>>, vector<10000x128xf32>,
    %get3A_31 = arith.constant 0 : index
    %get3A_32 = arith.constant 0 : index
    %get3A_33 = vector.load %arg4[%get3A_31, %get3A_32] : memref<128x128xf32, #tpu.memory_space<vmem>>, vector<128x128xf32>
    %dot_general3A_34 = arith.constant dense<0.000000e+00> : vector<10000x128xf32>
    %dot_general3A_35 = tpu.matmul %div3A_24, %get3A_33, %dot_general3A_34 {dimension_numbers = #tpu.dot_dimension_numbers<[1], [0], [0], [1], [0, 0, 1, 1], [], []>, transpose_lhs_hint = false} : vector<10000x128xf32>, vector<128x128xf32>, vector<10000x128xf32> -> vector<10000x128xf32>
    %get3A_36 = arith.constant 0 : index
    %get3A_37 = arith.constant 0 : index
    %get3A_38 = vector.load %arg5[%get3A_36, %get3A_37] : memref<1x128xf32, #tpu.memory_space<vmem>>, vector<1x128xf32>
    %add3A_39 = vector.broadcast %get3A_38 : vector<1x128xf32> to vector<10000x128xf32>
    %add3A_40 = arith.addf %dot_general3A_35, %add3A_39 : vector<10000x128xf32>
    %swap3A_41 = arith.constant 0 : index
    %swap3A_42 = arith.constant 0 : index
    %swap3A_43 = vector.load %arg7[%swap3A_41, %swap3A_42] : memref<10000x128xf32, #tpu.memory_space<vmem>>, vector<10000x128xf32>
    tpu.vector_store %arg7[%swap3A_41, %swap3A_42], %add3A_40 {strides = array<i32>} : memref<10000x128xf32, #tpu.memory_space<vmem>>, vector<10000x128xf32>,
    return
  }
}

module attributes {stable_mosaic.version = 14 : i64} {
  func.func @body(%arg0: memref<10000x128xf32, #tpu.memory_space<vmem>>, %arg1: memref<2x10112x128xf32, #tpu.memory_space<vmem>>, %arg2: memref<10000x1xf32, #tpu.memory_space<vmem>>, %arg3: memref<128x32xf32, #tpu.memory_space<vmem>>, %arg4: memref<32x1xf32, #tpu.memory_space<vmem>>, %arg5: memref<128x32xf32, #tpu.memory_space<vmem>>, %arg6: memref<32x1xf32, #tpu.memory_space<vmem>>, %arg7: memref<32x10000xf32, #tpu.memory_space<vmem>>, %arg8: memref<32x10000xf32, #tpu.memory_space<vmem>>) attributes {dimension_semantics = [], scalar_prefetch = 0 : i64, scratch_operands = 0 : i64, tpu.core_type = #tpu.core_type<tc>} {
    %get3A = arith.constant 0 : index
    %get3A_0 = arith.constant 0 : index
    %get3A_1 = vector.load %arg2[%get3A, %get3A_0] : memref<10000x1xf32, #tpu.memory_space<vmem>>, vector<10000x1xf32>
    %get3A_2 = arith.constant 0 : index
    %get3A_3 = arith.constant 0 : index
    %get3A_4 = arith.constant 0 : index
    %get3A_5 = vector.load %arg1[%get3A_2, %get3A_3, %get3A_4] : memref<2x10112x128xf32, #tpu.memory_space<vmem>>, vector<1x10000x128xf32>
    %get3A_6 = vector.shape_cast %get3A_5 : vector<1x10000x128xf32> to vector<10000x128xf32>
    %get3A_7 = arith.constant 1 : index
    %get3A_8 = arith.constant 0 : index
    %get3A_9 = arith.constant 0 : index
    %get3A_10 = vector.load %arg1[%get3A_7, %get3A_8, %get3A_9] : memref<2x10112x128xf32, #tpu.memory_space<vmem>>, vector<1x10000x128xf32>
    %get3A_11 = vector.shape_cast %get3A_10 : vector<1x10000x128xf32> to vector<10000x128xf32>
    %add3A = arith.addf %get3A_6, %get3A_11 : vector<10000x128xf32>
    %get3A_12 = arith.constant 0 : index
    %get3A_13 = arith.constant 0 : index
    %get3A_14 = vector.load %arg0[%get3A_12, %get3A_13] : memref<10000x128xf32, #tpu.memory_space<vmem>>, vector<10000x128xf32>
    %mul3A = vector.broadcast %get3A_1 : vector<10000x1xf32> to vector<10000x128xf32>
    %mul3A_15 = arith.mulf %add3A, %mul3A : vector<10000x128xf32>
    %add3A_16 = arith.addf %get3A_14, %mul3A_15 : vector<10000x128xf32>
    %max3A = arith.constant 0.000000e+00 : f32
    %max3A_17 = vector.broadcast %max3A : f32 to vector<10000x128xf32>
    %max3A_18 = arith.maximumf %add3A_16, %max3A_17 : vector<10000x128xf32>
    %mul3A_19 = arith.mulf %max3A_18, %max3A_18 : vector<10000x128xf32>
    %reduce_sum3A = arith.constant dense<0.000000e+00> : vector<10000xf32>
    %reduce_sum3A_20 = vector.multi_reduction <add>, %mul3A_19, %reduce_sum3A [1] : vector<10000x128xf32> to vector<10000xf32>
    %broadcast_in_dim3A = vector.shape_cast %reduce_sum3A_20 : vector<10000xf32> to vector<10000x1xf32>
    %sqrt3A = math.sqrt %broadcast_in_dim3A : vector<10000x1xf32>
    %max3A_21 = arith.constant 9.99999996E-13 : f32
    %max3A_22 = vector.broadcast %max3A_21 : f32 to vector<10000x1xf32>
    %max3A_23 = arith.maximumf %sqrt3A, %max3A_22 : vector<10000x1xf32>
    %div3A = vector.broadcast %max3A_23 : vector<10000x1xf32> to vector<10000x128xf32>
    %div3A_24 = arith.divf %max3A_18, %div3A : vector<10000x128xf32>
    %get3A_25 = arith.constant 0 : index
    %get3A_26 = arith.constant 0 : index
    %get3A_27 = vector.load %arg3[%get3A_25, %get3A_26] : memref<128x32xf32, #tpu.memory_space<vmem>>, vector<128x32xf32>
    %dot_general3A = arith.constant dense<0.000000e+00> : vector<32x10000xf32>
    %dot_general3A_28 = tpu.matmul %get3A_27, %div3A_24, %dot_general3A {dimension_numbers = #tpu.dot_dimension_numbers<[0], [1], [1], [0], [0, 1, 1, 0], [], []>, transpose_lhs_hint = false} : vector<128x32xf32>, vector<10000x128xf32>, vector<32x10000xf32> -> vector<32x10000xf32>
    %get3A_29 = arith.constant 0 : index
    %get3A_30 = arith.constant 0 : index
    %get3A_31 = vector.load %arg4[%get3A_29, %get3A_30] : memref<32x1xf32, #tpu.memory_space<vmem>>, vector<32x1xf32>
    %add3A_32 = vector.broadcast %get3A_31 : vector<32x1xf32> to vector<32x10000xf32>
    %add3A_33 = arith.addf %dot_general3A_28, %add3A_32 : vector<32x10000xf32>
    %swap3A = arith.constant 0 : index
    %swap3A_34 = arith.constant 0 : index
    %swap3A_35 = vector.load %arg7[%swap3A, %swap3A_34] : memref<32x10000xf32, #tpu.memory_space<vmem>>, vector<32x10000xf32>
    tpu.vector_store %arg7[%swap3A, %swap3A_34], %add3A_33 {strides = array<i32>} : memref<32x10000xf32, #tpu.memory_space<vmem>>, vector<32x10000xf32>,
    %get3A_36 = arith.constant 0 : index
    %get3A_37 = arith.constant 0 : index
    %get3A_38 = vector.load %arg5[%get3A_36, %get3A_37] : memref<128x32xf32, #tpu.memory_space<vmem>>, vector<128x32xf32>
    %dot_general3A_39 = arith.constant dense<0.000000e+00> : vector<32x10000xf32>
    %dot_general3A_40 = tpu.matmul %get3A_38, %div3A_24, %dot_general3A_39 {dimension_numbers = #tpu.dot_dimension_numbers<[0], [1], [1], [0], [0, 1, 1, 0], [], []>, transpose_lhs_hint = false} : vector<128x32xf32>, vector<10000x128xf32>, vector<32x10000xf32> -> vector<32x10000xf32>
    %get3A_41 = arith.constant 0 : index
    %get3A_42 = arith.constant 0 : index
    %get3A_43 = vector.load %arg6[%get3A_41, %get3A_42] : memref<32x1xf32, #tpu.memory_space<vmem>>, vector<32x1xf32>
    %add3A_44 = vector.broadcast %get3A_43 : vector<32x1xf32> to vector<32x10000xf32>
    %add3A_45 = arith.addf %dot_general3A_40, %add3A_44 : vector<32x10000xf32>
    %exp3A = math.exp %add3A_45 : vector<32x10000xf32>
    %add3A_46 = arith.constant 9.99999997E-7 : f32
    %add3A_47 = vector.broadcast %add3A_46 : f32 to vector<32x10000xf32>
    %add3A_48 = arith.addf %exp3A, %add3A_47 : vector<32x10000xf32>
    %swap3A_49 = arith.constant 0 : index
    %swap3A_50 = arith.constant 0 : index
    %swap3A_51 = vector.load %arg8[%swap3A_49, %swap3A_50] : memref<32x10000xf32, #tpu.memory_space<vmem>>, vector<32x10000xf32>
    tpu.vector_store %arg8[%swap3A_49, %swap3A_50], %add3A_48 {strides = array<i32>} : memref<32x10000xf32, #tpu.memory_space<vmem>>, vector<32x10000xf32>,
    return
  }
}

</mosaic_0001>

<sc_bundles>
// kernel: kernel.12.cloned.1.call-start
scs
__scs_entry_jumppad:
0x0: {  	(pc) =	sbr.rel $0x88, $3  }
0x1: {  	(tag) =	ssettag $0x0;
	lr =	simm.s32 $0x1  }
0x2: {  	[smem:$0x3F95] =	sst lr;
	_ =	strace $0xD0000000  }
0x3: {  	_ = 	snop  }
0x4: {  	_ = 	snop  }
0x5: {  	_ = 	snop  }
0x6: {  	_ = 	snop  }
0x7: {  	_ = 	snop  }
__scs_overlays_trampoline_lowered:
0x8: {  	[smem:$0x3FA4] =	sst s0  }
0x9: {  	[smem:$0x3FA5] =	sst s1  }
0xa: {  	[smem:$0x3FA6] =	sst s2  }
0xb: {  	[smem:$0x3FA7] =	sst s3  }
0xc: {  	[smem:$0x3FA8] =	sst s4  }
0xd: {  	[smem:$0x3FA9] =	sst s5  }
0xe: {  	[smem:$0x3FAA] =	sst s6  }
0xf: {  	[smem:$0x3FAB] =	sst s7  }
0x10: {  	[smem:$0x3FAC] =	sst s8  }
0x11: {  	[smem:$0x3FAD] =	sst s9;
	s0 =	simm.s32 @!p0 $0x0  }
0x12: {  	s1 =	sld [smem:$0x3F93];
	s0 =	simm.s32 @p0 $0x1  }
0x13: {  	[smem:$0x3FAE] =	sst s0;
	s0 =	simm.s32 @!p1 $0x0  }
0x14: {  	s2 =	sld [smem:$0x3F92];
	s0 =	simm.s32 @p1 $0x1  }
0x15: {  	[smem:$0x3FAF] =	sst s0;
	s0 =	simm.s32 @!p2 $0x0  }
0x16: {  	s3 =	sld [smem:$0x3FDB];
	s0 =	simm.s32 @p2 $0x1  }
0x17: {  	s4 =	simm.s32 $0x1BF5;
	[smem:$0x3FB1] =	sst s0  }
0x18: {  	s0 =	sld [smem:$0x3F94];
	_ =	swait.ge [sflag:s4], $0x0  }
0x19: {  	s7 =	sld [smem:$0x3F95]  }
0x1a: {  	s8 =	sadd.s32 $0xFFFFE003, lr  }
0x1b: {  	s9 =	sadd.s32 $0xFFFFFEF7, lr;
	s5 =	simm.s32 $0xFFFFFFFF;
	p2 =	slt.u32 s8, $0xFFFFF086  }
0x1c: {  	p1 =	slt.u32 s9, $0xF7A;
	s5 =	simm.s32 @!p2 $0x0  }
0x1d: {  	s5 =	simm.s32 @p1 $0x1;
	p0 =	seq.s32 s7, s2  }
0x1e: {  	s7 =	smul.u32 @!p0 $0xF7A, s2;
	p2 =	seq.s32 @!p0 s5, $0x0  }
0x1f: {  	s9 =	smul.u32 $0xF7A, s1;
	s8 =	simm.s32 @!p0 $0x1BF5;
	p2 =	por !p2, p0  }
0x20: {  	[sflag:s8] =	ssyncset.s32 @!p0 $0xFFFFF086;
	s6 =	sadd.s32 @!p0 s3, s7;
	s7 =	simm.s32 @!p0 $0x108  }
0x21: {  	s3 =	sadd.s32 s3, s9;
	s6 =	sadd.s32 @!p0 $0x88, s6;
	s7 =	simm.s32 @p2 $0x1082  }
0x22: {  	[simem:s7], [sflag:s8] =	dma.local @!p0 [hbm:s6], $0xF7A  }
0x23: {  	s9 =	sor.u32 $0xD0000000, s2;
	s6 =	simm.s32 $0x108;
	_ =	swait.ge @!p0 [sflag:s8], $0x0  }
0x24: {  	s3 =	sadd.s32 $0x88, s3;
	s6 =	simm.s32 @!p1 $0x1082;
	[sflag:s4] =	ssyncset.s32 $0xFFFFF086  }
0x25: {  	[simem:s6], [sflag:s4] =	dma.local [hbm:s3], $0xF7A  }
0x26: {  	[smem:$0x3F95] =	sst s1;
	(tag) =	ssettag s2;
	_ =	strace s9  }
0x27: {  	s1 =	sld [smem:$0x3FA5]  }
0x28: {  	s2 =	sld [smem:$0x3FA6]  }
0x29: {  	s4 =	sld [smem:$0x3FA8]  }
0x2a: {  	p0 =	seq.s32 s5, $0x0;
	s5 =	sld [smem:$0x3FA9]  }
0x2b: {  	s6 =	sld [smem:$0x3FAA]  }
0x2c: {  	s7 =	sld [smem:$0x3FAB]  }
0x2d: {  	s3 =	simm.s32 $0x108;
	s8 =	sld [smem:$0x3FAC]  }
0x2e: {  	s3 =	simm.s32 @!p0 $0x1082;
	s9 =	sld [smem:$0x3FAD]  }
0x2f: {  	lr =	sadd.s32 s0, s3;
	s0 =	sld [smem:$0x3FA4]  }
0x30: {  	s3 =	sld [smem:$0x3FA7]  }
0x31: {  	[smem:$0x3FB0] =	sst s10  }
0x32: {  	s10 =	sld [smem:$0x3FAE];
	_ =	sdelay $0x3  }
0x33: {  	p0 =	seq.s32 s10, $0x1;
	s10 =	sld [smem:$0x3FB0];
	_ =	sdelay $0x3  }
0x34: {  	[smem:$0x3FB0] =	sst s10  }
0x35: {  	s10 =	sld [smem:$0x3FAF];
	_ =	sdelay $0x3  }
0x36: {  	p1 =	seq.s32 s10, $0x1;
	s10 =	sld [smem:$0x3FB0];
	_ =	sdelay $0x3  }
0x37: {  	[smem:$0x3FB0] =	sst s10  }
0x38: {  	s10 =	sld [smem:$0x3FB1]  }
0x39: {  	_ = 	snop;
	(pc) =	sbr.ind lr, $3  }
0x3a: {  	_ = 	snop  }
0x3b: {  	_ = 	snop  }
0x3c: {  	p2 =	seq.s32 s10, $0x1;
	s10 =	sld [smem:$0x3FB0]  }
0x3d: {  	_ =	shalt  }
0x3e: {  	_ =	shalt  }
0x3f: {  	_ =	shalt  }
0x40: {  	_ =	shalt  }
0x41: {  	_ =	shalt  }
0x42: {  	_ =	shalt  }
0x43: {  	_ =	shalt  }
0x44: {  	_ =	shalt  }
0x45: {  	_ =	shalt  }
0x46: {  	_ =	shalt  }
0x47: {  	_ =	shalt  }
0x48: {  	_ =	shalt  }
0x49: {  	_ =	shalt  }
0x4a: {  	_ =	shalt  }
0x4b: {  	_ =	shalt  }
0x4c: {  	_ =	shalt  }
0x4d: {  	_ =	shalt  }
0x4e: {  	_ =	shalt  }
0x4f: {  	_ =	shalt  }
0x50: {  	_ =	shalt  }
0x51: {  	_ =	shalt  }
0x52: {  	_ =	shalt  }
0x53: {  	_ =	shalt  }
0x54: {  	_ =	shalt  }
0x55: {  	_ =	shalt  }
0x56: {  	_ =	shalt  }
0x57: {  	_ =	shalt  }
0x58: {  	_ =	shalt  }
0x59: {  	_ =	shalt  }
0x5a: {  	_ =	shalt  }
0x5b: {  	_ =	shalt  }
0x5c: {  	_ =	shalt  }
0x5d: {  	_ =	shalt  }
0x5e: {  	_ =	shalt  }
0x5f: {  	_ =	shalt  }
0x60: {  	_ =	shalt  }
0x61: {  	_ =	shalt  }
0x62: {  	_ =	shalt  }
0x63: {  	_ =	shalt  }
0x64: {  	_ =	shalt  }
0x65: {  	_ =	shalt  }
0x66: {  	_ =	shalt  }
0x67: {  	_ =	shalt  }
0x68: {  	_ =	shalt  }
0x69: {  	_ =	shalt  }
0x6a: {  	_ =	shalt  }
0x6b: {  	_ =	shalt  }
0x6c: {  	_ =	shalt  }
0x6d: {  	_ =	shalt  }
0x6e: {  	_ =	shalt  }
0x6f: {  	_ =	shalt  }
0x70: {  	_ =	shalt  }
0x71: {  	_ =	shalt  }
0x72: {  	_ =	shalt  }
0x73: {  	_ =	shalt  }
0x74: {  	_ =	shalt  }
0x75: {  	_ =	shalt  }
0x76: {  	_ =	shalt  }
0x77: {  	_ =	shalt  }
0x78: {  	_ =	shalt  }
0x79: {  	_ =	shalt  }
0x7a: {  	_ =	shalt  }
0x7b: {  	_ =	shalt  }
0x7c: {  	_ =	shalt  }
0x7d: {  	_ =	shalt  }
0x7e: {  	_ =	shalt  }
0x7f: {  	_ =	shalt  }
0x80: {  	_ =	shalt  }
0x81: {  	_ =	shalt  }
0x82: {  	_ =	shalt  }
0x83: {  	_ =	shalt  }
0x84: {  	_ =	shalt  }
0x85: {  	_ =	shalt  }
0x86: {  	_ =	shalt  }
0x87: {  	_ =	shalt  }
.Lfunc_end0:
.L_simem_size_0:
called_computation.1_lowered:
.L_overlay_start_0:
0x88: {  	s2 =	sld [smem:$0x3FD9]  }
0x89: {  	s3 =	sld [smem:$0x3FFE];
	_ =	sdelay $0x1  }
0x8a: {  	s1 =	srdreg.scid  }
0x8b: {  	s0 =	sand.u32 $0x1, s1  }
0x8c: {  	s16 =	sshll.u32 s0, $0xA;
	s2 =	sadd.s32 s3, s2  }
0x8d: {  	s2 =	sadd.s32 s2, s16  }
0x8e: {  	[smem:$0x3FBC] =	sst s2  }
0x8f: {  	_ = 	snop  }
0x90: {  	(tm) =	ssettm $0x1  }
0x91: {  	s17 =	sld [smem:$0x3FFB];
	_ =	sdelay $0x3  }
0x92: {  	_ =	strace s17  }
0x93: {  	s2 =	sld [smem:$0x3FFC];
	_ =	sdelay $0x3  }
0x94: {  	_ =	strace s2  }
0x95: {  	s2 =	sld [smem:$0x3FFD];
	_ =	sdelay $0x3  }
0x96: {  	_ =	strace s2  }
0x97: {  	_ =	strace $0x8FFFFFFF  }
0x98: {  	s18 =	sld [smem:$0x3FDB];
	_ =	sdelay $0x1  }
0x99: {  	s19 =	simm.s32 $_scs_section_size  }
0x9a: {  	s4 =	simm.s32 $_size__tile_overlayer_lowered;
	s5 =	simm.s32 $_tile_overlayer_lowered  }
0x9b: {  	s22 =	simm.s32 $0x1BFF;
	s21 =	sshll.u32 s5, $0x1;
	s2 =	sadd.s32 s19, s18  }
0x9c: {  	s6 =	simm.s32 $0x0;
	s20 =	sshll.u32 s4, $0x1;
	s4 =	sadd.s32 s21, s2  }
0x9d: {  	[timem:s6], [sflag:s22] =	dma.local [hbm:s4], s20  }
0x9e: {  	_ =	swait.ge [sflag:s22], s20  }
0x9f: {  	s3 =	ssub.s32 $0x0, s20;
	[sflag:s22] =	ssyncset.done $0x0  }
0xa0: {  	[sflag:s22] =	ssyncadd.s32 s3;
	_ =	sdelay $0x1  }
0xa1: {  	s23 =	simm.s32 $0x1B8B  }
0xa2: {  	_ =	swait.ge [sflag:s23], $0x1  }
0xa3: {  	[sflag:s23] =	ssyncset.done $0x0  }
0xa4: {  	s25 =	simm.s32 $0x1B8E;
	s24 =	sld [smem:$0x3FFE];
	[sflag:s23] =	ssyncadd.s32 $0xFFFFFFFF  }
0xa5: {  	s26 =	simm.s32 $execute0_lowered;
	[smem:$0x3FD2] =	sst s25  }
0xa6: {  	s4 =	sshll.u32 s26, $0x1;
	_ =	strace $0x80000049;
	[dreg:$0x1] =	wrdreg $0xFFFFFFFF  }
0xa7: {  	s28 =	simm.s32 $_size_execute0_lowered;
	s2 =	sadd.s32 s2, s4;
	[dreg:$0x0] =	wrdreg $0x0  }
0xa8: {  	s4 =	sshll.u32 s28, $0x1;
	[dreg:$0x2] =	wrdreg s2  }
0xa9: {  	[dreg:$0x3] =	wrdreg s4  }
0xaa: {  	[dreg:$0x4] =	wrdreg $0xC0  }
0xab: {  	_ =	task [dreg:s6], $0x5FFFF  }
0xac: {  	[dreg:$0x1] =	wrdreg $0xFFFFFFFF  }
0xad: {  	[dreg:$0x0] =	wrdreg $0x60  }
0xae: {  	[dreg:$0x2] =	wrdreg s24  }
0xaf: {  	[dreg:$0x3] =	wrdreg $0xA8000  }
0xb0: {  	[dreg:$0x4] =	wrdreg $0x9  }
0xb1: {  	_ =	task.clear_ibuf [dreg:s6], $0x5FFFF;
	_ =	strace $0x90000049  }
0xb2: {  	s29 =	simm.s32 $0x9;
	_ =	strace $0x8000004B  }
0xb3: {  	_ =	swait.ge [sflag:s29], $0x1  }
0xb4: {  	[sflag:s29] =	ssyncadd.s32 $0xFFFFFFFF  }
0xb5: {  	_ =	strace $0x9000004B  }
0xb6: {  	_ =	sfence  }
0xb7: {  	s30 =	sld [smem:$0x0];
	_ =	sdelay $0x2  }
0xb8: {  	s31 =	sshll.u32 s1, $0xD;
	s1 =	sshrl.u32 s1, $0x2  }
0xb9: {  	s3 =	sand.u32 $0x4000, s31;
	s1 =	sadd.s32 s1, s30  }
0xba: {  	s0 =	sor.u32 s3, s0;
	s1 =	sshll.u32 s1, $0x11  }
0xbb: {  	s0 =	sor.u32 s1, s0  }
0xbc: {  	s0 =	sadd.s32 $0x8F2B, s0  }
0xbd: {  	[sflag:s0] =	ssyncadd.remote.s32 $0x1  }
0xbe: {  	_ =	sfence.sel $0xFFFF  }
0xbf: {  	[dreg:$0x0] =	wrdreg $0xFFFFFFFF;
	(pc) =	sbr.abs _section_cstart, $3  }
0xc0: {  	[dreg:$0x1] =	wrdreg $0xFFFFFFFF  }
0xc1: {  	_ =	task.clear_ibuf [dreg:s6], $0x2FFFF;
	_ =	strace $0x9FFFFFFF  }
0xc2: {  	(tm) =	ssettm $0x7FFFFFFF  }
0xc3: {  	_ =	shalt  }
tec
execute0_lowered:
.L_overlay_start_1:
0x0: {  	(tag) =	ssettag $0x1  }
0x1: {  	s5 =	rddreg [dreg:$0x0]  }
0x2: {  	s2 =	rddreg [dreg:$0x1];
	s3 =	simm.s32 $0x0  }
0x3: {  	s1 =	stileid.u32;
	s4 =	srdreg.scid;
	s16 =	simm.s32 $0x1400  }
0x4: {  	s17 =	simm.s32 $0x3;
	s18 =	simm.s32 $0x80;
	s19 =	simm.s32 $0x2800  }
0x5: {  	s20 =	simm.s32 $0x6800;
	s21 =	simm.s32 $0x1;
	s22 =	simm.s32 $0x2  }
0x6: {  	s23 =	simm.s32 $0x1380;
	s24 =	simm.s32 $0x2700;
	s25 =	simm.s32 $0x2780  }
0x7: {  	s26 =	simm.s32 $0x0;
	[smem:$0x7FF] =	sst s3;
	s6 =	smul.u32 $0x13C00, s1  }
0x8: {  	s7 =	sand.u32 $0x1, s4;
	s4 =	sadd.s32 $0x21400, s5;
	s10 =	sadd.s32 $0xD400, s5  }
0x9: {  	s11 =	sadd.s32 $0x3400, s5;
	s28 =	smul.u32 $0x4F000, s1;
	s12 =	sshll.u32 s1, $0x1  }
0xa: {  	_ =	strace $0x8000004A;
	s9 =	smul.u32 $0x13C000, s7;
	s13 =	ssub.s32 $0x2, s7  }
0xb: {  	s7 =	sor.u32 s7, s12;
	s8 =	sshrl.u32 s6, $0x3;
	s29 =	sshrl.u32 s13, $0x1  }
0xc: {  	s7 =	smul.u32 $0x2800, s7;
	s8 =	sadd.s32 s8, s5;
	s6 =	sadd.s32 s6, s9  }
0xd: {  	s9 =	sshrl.u32 s28, $0x2;
	s13 =	ssub.s32 s13, s29;
	s6 =	sshrl.u32 s6, $0x3  }
0xe: {  	s15 =	sadd.s32 s9, s2;
	s30 =	sshrl.u32 s7, $0x3;
	s13 =	smax.u32 s13, $0x1  }
0xf: {  	s14 =	sadd.s32 s6, s5;
	s5 =	sadd.s32 $0x48600, s8;
	s6 =	sshll.u32 s1, $0x6  }
0x10: {  	s8 =	sadd.s32 s10, s30;
	s31 =	sadd.s32 $0x280, s30;
	s9 =	sadd.s32 s11, s30  }
0x11: {  	s7 =	sor.u32 $0x1C03, s6;
	s10 =	sadd.s32 s10, s31;
	s11 =	sadd.s32 s11, s31  }
0x12: {  	s12 =	sadd.s32 $0x6FE00, s14;
	s14 =	sshrl.u32 s15, $0x3;
	s15 =	simm.s32 $0x4  }
.LBB2_1:
0x13: {  	[spmem:s14], [sflag:s7] =	dma.local [hbm:s5], $0x2780  }
0x14: {  	[tilespmem:s3], [sflag:$0x4] =	stream.linear.gather [hbm4b:s8+s3], $0x1400, $0x38;
	[tilespmem:$0x1E400] =	vst v63  }
0x15: {  	_ =	swait.ge [sflag:s15], $0x1400  }
0x16: {  	[sflag:s15] =	ssyncset.done $0x0  }
0x17: {  	[sflag:s15] =	ssyncadd.s32 $0xFFFFEC00  }
0x18: {  	[tilespmem:s16], [sflag:$0x4] =	stream.linear.gather [hbm4b:s9+s3], $0x1400, $0x38;
	[tilespmem:$0x1E400] =	vst v63  }
0x19: {  	_ =	swait.ge [sflag:s15], $0x1400  }
0x1a: {  	[sflag:s15] =	ssyncset.done $0x0  }
0x1b: {  	[sflag:s15] =	ssyncadd.s32 $0xFFFFEC00  }
0x1c: {  	_ =	swait.ge [sflag:s17], $0x2780  }
0x1d: {  	[sflag:s17] =	ssyncset.done $0x0  }
0x1e: {  	[sflag:s17] =	ssyncadd.s32 $0xFFFFD880  }
0x1f: {  	[bflag:$0x0] =	sbarrier.arrive $0xFFFF  }
0x20: {  	[tilespmem:s19], [sflag:$0x1] =	stream.indirect.gather [hbm4b:s4+s18], $0x80, s3, s18, $0xb8;
	[tilespmem:$0x1E400] =	vst v63  }
0x21: {  	s28 =	simm.s32 $0x80  }
0x22: {  	[tilespmem:s20], [sflag:$0x2] =	stream.indirect.gather [hbm4b:s4+s18], $0x80, s28, s18, $0xb8;
	[tilespmem:$0x1E400] =	vst v63  }
0x23: {  	_ =	swait.ge [sflag:s21], $0x4000  }
0x24: {  	[sflag:s21] =	ssyncset.done $0x0  }
0x25: {  	s28 =	simm.s32 $0x1400;
	[sflag:s21] =	ssyncadd.s32 $0xFFFFC000  }
0x26: {  	[spmem:s2] =	stream.indirect.scatter.add.f32 [tilespmem:s19], [sflag:$0x4], $0x80, s28, s18, $0xb8;
	[tilespmem:$0x1E400] =	vst v63  }
0x27: {  	_ =	swait.ge [sflag:s15], $0x4000  }
0x28: {  	[sflag:s15] =	ssyncset.done $0x0  }
0x29: {  	s28 =	simm.s32 $0x100;
	[sflag:s15] =	ssyncadd.s32 $0xFFFFC000  }
0x2a: {  	[tilespmem:s19], [sflag:$0x1] =	stream.indirect.gather [hbm4b:s4+s18], $0x80, s28, s18, $0xb8;
	[tilespmem:$0x1E400] =	vst v63  }
0x2b: {  	_ =	swait.ge [sflag:s22], $0x4000  }
0x2c: {  	[sflag:s22] =	ssyncset.done $0x0  }
0x2d: {  	s28 =	simm.s32 $0x1480;
	[sflag:s22] =	ssyncadd.s32 $0xFFFFC000  }
0x2e: {  	[spmem:s2] =	stream.indirect.scatter.add.f32 [tilespmem:s20], [sflag:$0x4], $0x80, s28, s18, $0xb8;
	[tilespmem:$0x1E400] =	vst v63  }
0x2f: {  	_ =	swait.ge [sflag:s15], $0x4000  }
0x30: {  	s29 =	simm.s32 $0x800;
	s28 =	simm.s32 $0x100;
	[sflag:s15] =	ssyncset.done $0x0  }
.LBB2_2:
0x31: {  	s30 =	sadd.s32 $0x80, s28  }
0x32: {  	[sflag:s15] =	ssyncadd.s32 $0xFFFFC000;
	s31 =	smov.u32 s29;
	s0 =	sadd.s32 $0x400, s29  }
0x33: {  	[tilespmem:s20], [sflag:$0x2] =	stream.indirect.gather [hbm4b:s4+s18], $0x80, s30, s18, $0xb8;
	[tilespmem:$0x1E400] =	vst v63  }
0x34: {  	p0 =	sne.s32 s29, $0x4800;
	_ =	swait.ge [sflag:s21], $0x4000  }
0x35: {  	[sflag:s21] =	ssyncset.done $0x0  }
0x36: {  	s29 =	sadd.s32 $0x1400, s28;
	[sflag:s21] =	ssyncadd.s32 $0xFFFFC000  }
0x37: {  	[spmem:s2] =	stream.indirect.scatter.add.f32 [tilespmem:s19], [sflag:$0x4], $0x80, s29, s18, $0xb8;
	[tilespmem:$0x1E400] =	vst v63  }
0x38: {  	_ =	swait.ge [sflag:s15], $0x4000  }
0x39: {  	[sflag:s15] =	ssyncset.done $0x0  }
0x3a: {  	s29 =	sadd.s32 $0x100, s28;
	[sflag:s15] =	ssyncadd.s32 $0xFFFFC000  }
0x3b: {  	[tilespmem:s19], [sflag:$0x1] =	stream.indirect.gather [hbm4b:s4+s18], $0x80, s29, s18, $0xb8;
	[tilespmem:$0x1E400] =	vst v63  }
0x3c: {  	_ =	swait.ge [sflag:s22], $0x4000  }
.Ltmp0:
0x3d: {  	[sflag:s22] =	ssyncset.done $0x0;
	(pc) =	sbr.rel @p0 .LBB2_2-.Ltmp0, $4  }
0x3e: {  	s28 =	sadd.s32 $0x1480, s28;
	[sflag:s22] =	ssyncadd.s32 $0xFFFFC000  }
0x3f: {  	[spmem:s2] =	stream.indirect.scatter.add.f32 [tilespmem:s20], [sflag:$0x4], $0x80, s28, s18, $0xb8;
	[tilespmem:$0x1E400] =	vst v63  }
0x40: {  	_ =	swait.ge [sflag:s15], $0x4000  }
0x41: {  	s29 =	smov.u32 s0;
	s28 =	sshra.s32 s31, $0x2;
	[sflag:s15] =	ssyncset.done $0x0  }
0x42: {  	s0 =	sadd.s32 $0x80, s28;
	[sflag:s15] =	ssyncadd.s32 $0xFFFFC000  }
0x43: {  	[tilespmem:s20], [sflag:$0x2] =	stream.indirect.gather [hbm4b:s4+s18], $0x80, s0, s18, $0xb8;
	[tilespmem:$0x1E400] =	vst v63  }
0x44: {  	_ =	swait.ge [sflag:s21], $0x4000  }
0x45: {  	[sflag:s21] =	ssyncset.done $0x0  }
0x46: {  	s30 =	sadd.s32 $0x1400, s28;
	[sflag:s21] =	ssyncadd.s32 $0xFFFFC000  }
0x47: {  	[spmem:s2] =	stream.indirect.scatter.add.f32 [tilespmem:s19], [sflag:$0x4], $0x80, s30, s18, $0xb8;
	[tilespmem:$0x1E400] =	vst v63  }
0x48: {  	_ =	swait.ge [sflag:s15], $0x4000  }
0x49: {  	[sflag:s15] =	ssyncset.done $0x0  }
0x4a: {  	s31 =	sadd.s32 $0x100, s28;
	[sflag:s15] =	ssyncadd.s32 $0xFFFFC000  }
0x4b: {  	[tilespmem:s19], [sflag:$0x1] =	stream.indirect.gather [hbm4b:s4+s18], $0x80, s31, s18, $0xb8;
	[tilespmem:$0x1E400] =	vst v63  }
0x4c: {  	_ =	swait.ge [sflag:s22], $0x4000  }
0x4d: {  	[sflag:s22] =	ssyncset.done $0x0  }
0x4e: {  	s30 =	sadd.s32 $0x1480, s28;
	[sflag:s22] =	ssyncadd.s32 $0xFFFFC000  }
0x4f: {  	[spmem:s2] =	stream.indirect.scatter.add.f32 [tilespmem:s20], [sflag:$0x4], $0x80, s30, s18, $0xb8;
	[tilespmem:$0x1E400] =	vst v63  }
0x50: {  	_ =	swait.ge [sflag:s15], $0x4000  }
0x51: {  	[sflag:s15] =	ssyncset.done $0x0  }
0x52: {  	[sflag:s15] =	ssyncadd.s32 $0xFFFFC000  }
0x53: {  	[tilespmem:s20], [sflag:$0x2] =	stream.indirect.gather [hbm4b:s4+s18], $0x80, s23, s18, $0xb8;
	[tilespmem:$0x1E400] =	vst v63  }
0x54: {  	_ =	swait.ge [sflag:s21], $0x4000  }
0x55: {  	[sflag:s21] =	ssyncset.done $0x0  }
0x56: {  	[sflag:s21] =	ssyncadd.s32 $0xFFFFC000  }
0x57: {  	[spmem:s2] =	stream.indirect.scatter.add.f32 [tilespmem:s19], [sflag:$0x4], $0x80, s24, s18, $0xb8;
	[tilespmem:$0x1E400] =	vst v63  }
0x58: {  	_ =	swait.ge [sflag:s15], $0x4000  }
0x59: {  	[sflag:s15] =	ssyncset.done $0x0  }
0x5a: {  	[sflag:s15] =	ssyncadd.s32 $0xFFFFC000  }
0x5b: {  	_ =	swait.ge [sflag:s22], $0x4000  }
0x5c: {  	[sflag:s22] =	ssyncset.done $0x0  }
0x5d: {  	[sflag:s22] =	ssyncadd.s32 $0xFFFFC000  }
0x5e: {  	[spmem:s2] =	stream.indirect.scatter.add.f32 [tilespmem:s20], [sflag:$0x4], $0x80, s25, s18, $0xb8;
	[tilespmem:$0x1E400] =	vst v63  }
0x5f: {  	_ =	swait.ge [sflag:s15], $0x4000  }
0x60: {  	[sflag:s15] =	ssyncset.done $0x0  }
0x61: {  	s31 =	simm.s32 $0x0;
	[sflag:s15] =	ssyncadd.s32 $0xFFFFC000  }
0x62: {  	[tilespmem:s31], [sflag:$0x4] =	stream.linear.gather [hbm4b:s10+s31], $0x1400, $0x38;
	[tilespmem:$0x1E400] =	vst v63  }
0x63: {  	_ =	swait.ge [sflag:s15], $0x1400  }
0x64: {  	[sflag:s15] =	ssyncset.done $0x0  }
0x65: {  	[sflag:s15] =	ssyncadd.s32 $0xFFFFEC00  }
0x66: {  	[tilespmem:s16], [sflag:$0x4] =	stream.linear.gather [hbm4b:s11+s31], $0x1400, $0x38;
	[tilespmem:$0x1E400] =	vst v63  }
0x67: {  	_ =	swait.ge [sflag:s15], $0x1400  }
0x68: {  	[sflag:s15] =	ssyncset.done $0x0  }
0x69: {  	[sflag:s15] =	ssyncadd.s32 $0xFFFFEC00  }
0x6a: {  	[tilespmem:s19], [sflag:$0x1] =	stream.indirect.gather [hbm4b:s4+s18], $0x80, s31, s18, $0xb8;
	[tilespmem:$0x1E400] =	vst v63  }
0x6b: {  	s30 =	simm.s32 $0x80  }
0x6c: {  	[tilespmem:s20], [sflag:$0x2] =	stream.indirect.gather [hbm4b:s4+s18], $0x80, s30, s18, $0xb8;
	[tilespmem:$0x1E400] =	vst v63  }
0x6d: {  	_ =	swait.ge [sflag:s21], $0x4000  }
0x6e: {  	[sflag:s21] =	ssyncset.done $0x0  }
0x6f: {  	s31 =	simm.s32 $0x1400;
	[sflag:s21] =	ssyncadd.s32 $0xFFFFC000  }
0x70: {  	[spmem:s2] =	stream.indirect.scatter.add.f32 [tilespmem:s19], [sflag:$0x4], $0x80, s31, s18, $0xb8;
	[tilespmem:$0x1E400] =	vst v63  }
0x71: {  	_ =	swait.ge [sflag:s15], $0x4000  }
0x72: {  	[sflag:s15] =	ssyncset.done $0x0  }
0x73: {  	s30 =	simm.s32 $0x100;
	[sflag:s15] =	ssyncadd.s32 $0xFFFFC000  }
0x74: {  	[tilespmem:s19], [sflag:$0x1] =	stream.indirect.gather [hbm4b:s4+s18], $0x80, s30, s18, $0xb8;
	[tilespmem:$0x1E400] =	vst v63  }
0x75: {  	_ =	swait.ge [sflag:s22], $0x4000  }
0x76: {  	[sflag:s22] =	ssyncset.done $0x0  }
0x77: {  	s31 =	simm.s32 $0x1480;
	[sflag:s22] =	ssyncadd.s32 $0xFFFFC000  }
0x78: {  	[spmem:s2] =	stream.indirect.scatter.add.f32 [tilespmem:s20], [sflag:$0x4], $0x80, s31, s18, $0xb8;
	[tilespmem:$0x1E400] =	vst v63  }
0x79: {  	_ =	swait.ge [sflag:s15], $0x4000  }
0x7a: {  	s29 =	simm.s32 $0x800;
	s28 =	simm.s32 $0x100;
	[sflag:s15] =	ssyncset.done $0x0  }
.LBB2_4:
0x7b: {  	s0 =	sadd.s32 $0x80, s28  }
0x7c: {  	[sflag:s15] =	ssyncadd.s32 $0xFFFFC000;
	s30 =	smov.u32 s29;
	s31 =	sadd.s32 $0x400, s29  }
0x7d: {  	[tilespmem:s20], [sflag:$0x2] =	stream.indirect.gather [hbm4b:s4+s18], $0x80, s0, s18, $0xb8;
	[tilespmem:$0x1E400] =	vst v63  }
0x7e: {  	p0 =	sne.s32 s29, $0x4800;
	_ =	swait.ge [sflag:s21], $0x4000  }
0x7f: {  	[sflag:s21] =	ssyncset.done $0x0  }
0x80: {  	s0 =	sadd.s32 $0x1400, s28;
	[sflag:s21] =	ssyncadd.s32 $0xFFFFC000  }
0x81: {  	[spmem:s2] =	stream.indirect.scatter.add.f32 [tilespmem:s19], [sflag:$0x4], $0x80, s0, s18, $0xb8;
	[tilespmem:$0x1E400] =	vst v63  }
0x82: {  	_ =	swait.ge [sflag:s15], $0x4000  }
0x83: {  	[sflag:s15] =	ssyncset.done $0x0  }
0x84: {  	s0 =	sadd.s32 $0x100, s28;
	[sflag:s15] =	ssyncadd.s32 $0xFFFFC000  }
0x85: {  	[tilespmem:s19], [sflag:$0x1] =	stream.indirect.gather [hbm4b:s4+s18], $0x80, s0, s18, $0xb8;
	[tilespmem:$0x1E400] =	vst v63  }
0x86: {  	_ =	swait.ge [sflag:s22], $0x4000  }
.Ltmp1:
0x87: {  	[sflag:s22] =	ssyncset.done $0x0;
	(pc) =	sbr.rel @p0 .LBB2_4-.Ltmp1, $4  }
0x88: {  	s0 =	sadd.s32 $0x1480, s28;
	[sflag:s22] =	ssyncadd.s32 $0xFFFFC000  }
0x89: {  	[spmem:s2] =	stream.indirect.scatter.add.f32 [tilespmem:s20], [sflag:$0x4], $0x80, s0, s18, $0xb8;
	[tilespmem:$0x1E400] =	vst v63  }
0x8a: {  	_ =	swait.ge [sflag:s15], $0x4000  }
0x8b: {  	s29 =	smov.u32 s31;
	s28 =	sshra.s32 s30, $0x2;
	[sflag:s15] =	ssyncset.done $0x0  }
0x8c: {  	s0 =	sadd.s32 $0x80, s28;
	[sflag:s15] =	ssyncadd.s32 $0xFFFFC000  }
0x8d: {  	[tilespmem:s20], [sflag:$0x2] =	stream.indirect.gather [hbm4b:s4+s18], $0x80, s0, s18, $0xb8;
	[tilespmem:$0x1E400] =	vst v63  }
0x8e: {  	_ =	swait.ge [sflag:s21], $0x4000  }
0x8f: {  	[sflag:s21] =	ssyncset.done $0x0  }
0x90: {  	s31 =	sadd.s32 $0x1400, s28;
	[sflag:s21] =	ssyncadd.s32 $0xFFFFC000  }
0x91: {  	[spmem:s2] =	stream.indirect.scatter.add.f32 [tilespmem:s19], [sflag:$0x4], $0x80, s31, s18, $0xb8;
	[tilespmem:$0x1E400] =	vst v63  }
0x92: {  	_ =	swait.ge [sflag:s15], $0x4000  }
0x93: {  	[sflag:s15] =	ssyncset.done $0x0  }
0x94: {  	s29 =	sadd.s32 $0x100, s28;
	[sflag:s15] =	ssyncadd.s32 $0xFFFFC000  }
0x95: {  	[tilespmem:s19], [sflag:$0x1] =	stream.indirect.gather [hbm4b:s4+s18], $0x80, s29, s18, $0xb8;
	[tilespmem:$0x1E400] =	vst v63  }
0x96: {  	_ =	swait.ge [sflag:s22], $0x4000  }
0x97: {  	[sflag:s22] =	ssyncset.done $0x0  }
0x98: {  	s30 =	sadd.s32 $0x1480, s28;
	[sflag:s22] =	ssyncadd.s32 $0xFFFFC000  }
0x99: {  	[spmem:s2] =	stream.indirect.scatter.add.f32 [tilespmem:s20], [sflag:$0x4], $0x80, s30, s18, $0xb8;
	[tilespmem:$0x1E400] =	vst v63  }
0x9a: {  	_ =	swait.ge [sflag:s15], $0x4000  }
0x9b: {  	[sflag:s15] =	ssyncset.done $0x0  }
0x9c: {  	[sflag:s15] =	ssyncadd.s32 $0xFFFFC000  }
0x9d: {  	[tilespmem:s20], [sflag:$0x2] =	stream.indirect.gather [hbm4b:s4+s18], $0x80, s23, s18, $0xb8;
	[tilespmem:$0x1E400] =	vst v63  }
0x9e: {  	_ =	swait.ge [sflag:s21], $0x4000  }
0x9f: {  	[sflag:s21] =	ssyncset.done $0x0  }
0xa0: {  	[sflag:s21] =	ssyncadd.s32 $0xFFFFC000  }
0xa1: {  	[spmem:s2] =	stream.indirect.scatter.add.f32 [tilespmem:s19], [sflag:$0x4], $0x80, s24, s18, $0xb8;
	[tilespmem:$0x1E400] =	vst v63  }
0xa2: {  	_ =	swait.ge [sflag:s15], $0x4000  }
0xa3: {  	[sflag:s15] =	ssyncset.done $0x0  }
0xa4: {  	[sflag:s15] =	ssyncadd.s32 $0xFFFFC000  }
0xa5: {  	_ =	swait.ge [sflag:s22], $0x4000  }
0xa6: {  	[sflag:s22] =	ssyncset.done $0x0  }
0xa7: {  	[sflag:s22] =	ssyncadd.s32 $0xFFFFC000  }
0xa8: {  	[spmem:s2] =	stream.indirect.scatter.add.f32 [tilespmem:s20], [sflag:$0x4], $0x80, s25, s18, $0xb8;
	[tilespmem:$0x1E400] =	vst v63  }
0xa9: {  	_ =	swait.ge [sflag:s15], $0x4000  }
0xaa: {  	s26 =	sadd.s32 $0x1, s26;
	[sflag:s15] =	ssyncset.done $0x0  }
0xab: {  	p0 =	sne.s32 s26, s13;
	[sflag:s15] =	ssyncadd.s32 $0xFFFFC000  }
.Ltmp2:
0xac: {  	s31 =	sor.u32 $0x1C04, s6;
	[bflag:$0x0] =	sbarrier.arrive $0xFFFF;
	(pc) =	sbr.rel @p0 .LBB2_1-.Ltmp2, $4  }
0xad: {  	[hbm:s12], [sflag:s31] =	dma.local [spmem:s14], $0x2780  }
0xae: {  	_ =	swait.ge [sflag:s15], $0x2780  }
0xaf: {  	[sflag:s15] =	ssyncset.done $0x0  }
0xb0: {  	[sflag:s15] =	ssyncadd.s32 $0xFFFFD880  }
0xb1: {  	_ =	sfence.sel $0x180000  }
0xb2: {  	[bflag:$0x0] =	sbarrier.arrive $0xFFFF  }
0xb3: {  	_ =	strace $0x9000004A  }
0xb4: {  	[bflag:$0x2] =	sbarrier.arrive $0xFFFF  }
0xb5: {  	p0 =	sne.s32 s1, $0x0;
	s0 =	rddreg [dreg:$0x2]  }
0xb6: {  	s0 =	sadd.s32 @!p0 $0x100000, s0  }
0xb7: {  	[sflag:s0] =	ssyncadd.tile.s32 @!p0 $0x1;
	_ =	shalt  }
.Lfunc_end2:
_tile_overlayer_lowered:
.L_overlay_start_2:
0xb8: {  	(tag) =	ssettag $0x2  }
0xb9: {  	s0 =	rddreg [dreg:$0x0];
	s2 =	stileid.u32  }
0xba: {  	s1 =	rddreg [dreg:$0x1];
	p0 =	sne.s32 s2, $0x0  }
0xbb: {  	s3 =	rddreg [dreg:$0x2];
	[bflag:$0x3] =	sbarrier.arrive $0xFFFF;
	s2 =	simm.s32 @!p0 $0x1C04  }
0xbc: {  	[timem:s3], [sflag:s2] =	dma.local @!p0 [hbm:s0], s1  }
0xbd: {  	s0 =	simm.s32 @!p0 $0x4  }
0xbe: {  	_ =	swait.ge @!p0 [sflag:s0], s1  }
0xbf: {  	s1 =	ssub.s32 @!p0 $0x0, s1;
	[sflag:s0] =	ssyncset.done @!p0 $0x0  }
0xc0: {  	[sflag:s0] =	ssyncadd.s32 @!p0 s1  }
0xc1: {  	[bflag:$0x3] =	sbarrier.arrive $0xFFFF  }
0xc2: {  	_ =	shalt  }

// kernel: kernel.15.cloned.1.call-start
scs
__scs_entry_jumppad:
0x0: {  	(pc) =	sbr.rel $0x88, $3  }
0x1: {  	(tag) =	ssettag $0x0;
	lr =	simm.s32 $0x1  }
0x2: {  	[smem:$0x3F95] =	sst lr;
	_ =	strace $0xD0000000  }
0x3: {  	_ = 	snop  }
0x4: {  	_ = 	snop  }
0x5: {  	_ = 	snop  }
0x6: {  	_ = 	snop  }
0x7: {  	_ = 	snop  }
__scs_overlays_trampoline_lowered:
0x8: {  	[smem:$0x3FA4] =	sst s0  }
0x9: {  	[smem:$0x3FA5] =	sst s1  }
0xa: {  	[smem:$0x3FA6] =	sst s2  }
0xb: {  	[smem:$0x3FA7] =	sst s3  }
0xc: {  	[smem:$0x3FA8] =	sst s4  }
0xd: {  	[smem:$0x3FA9] =	sst s5  }
0xe: {  	[smem:$0x3FAA] =	sst s6  }
0xf: {  	[smem:$0x3FAB] =	sst s7  }
0x10: {  	[smem:$0x3FAC] =	sst s8  }
0x11: {  	[smem:$0x3FAD] =	sst s9;
	s0 =	simm.s32 @!p0 $0x0  }
0x12: {  	s1 =	sld [smem:$0x3F93];
	s0 =	simm.s32 @p0 $0x1  }
0x13: {  	[smem:$0x3FAE] =	sst s0;
	s0 =	simm.s32 @!p1 $0x0  }
0x14: {  	s2 =	sld [smem:$0x3F92];
	s0 =	simm.s32 @p1 $0x1  }
0x15: {  	[smem:$0x3FAF] =	sst s0;
	s0 =	simm.s32 @!p2 $0x0  }
0x16: {  	s3 =	sld [smem:$0x3FDB];
	s0 =	simm.s32 @p2 $0x1  }
0x17: {  	s4 =	simm.s32 $0x1BF5;
	[smem:$0x3FB1] =	sst s0  }
0x18: {  	s0 =	sld [smem:$0x3F94];
	_ =	swait.ge [sflag:s4], $0x0  }
0x19: {  	s7 =	sld [smem:$0x3F95]  }
0x1a: {  	s8 =	sadd.s32 $0xFFFFE003, lr  }
0x1b: {  	s9 =	sadd.s32 $0xFFFFFEF7, lr;
	s5 =	simm.s32 $0xFFFFFFFF;
	p2 =	slt.u32 s8, $0xFFFFF086  }
0x1c: {  	p1 =	slt.u32 s9, $0xF7A;
	s5 =	simm.s32 @!p2 $0x0  }
0x1d: {  	s5 =	simm.s32 @p1 $0x1;
	p0 =	seq.s32 s7, s2  }
0x1e: {  	s7 =	smul.u32 @!p0 $0xF7A, s2;
	p2 =	seq.s32 @!p0 s5, $0x0  }
0x1f: {  	s9 =	smul.u32 $0xF7A, s1;
	s8 =	simm.s32 @!p0 $0x1BF5;
	p2 =	por !p2, p0  }
0x20: {  	[sflag:s8] =	ssyncset.s32 @!p0 $0xFFFFF086;
	s6 =	sadd.s32 @!p0 s3, s7;
	s7 =	simm.s32 @!p0 $0x108  }
0x21: {  	s3 =	sadd.s32 s3, s9;
	s6 =	sadd.s32 @!p0 $0x88, s6;
	s7 =	simm.s32 @p2 $0x1082  }
0x22: {  	[simem:s7], [sflag:s8] =	dma.local @!p0 [hbm:s6], $0xF7A  }
0x23: {  	s9 =	sor.u32 $0xD0000000, s2;
	s6 =	simm.s32 $0x108;
	_ =	swait.ge @!p0 [sflag:s8], $0x0  }
0x24: {  	s3 =	sadd.s32 $0x88, s3;
	s6 =	simm.s32 @!p1 $0x1082;
	[sflag:s4] =	ssyncset.s32 $0xFFFFF086  }
0x25: {  	[simem:s6], [sflag:s4] =	dma.local [hbm:s3], $0xF7A  }
0x26: {  	[smem:$0x3F95] =	sst s1;
	(tag) =	ssettag s2;
	_ =	strace s9  }
0x27: {  	s1 =	sld [smem:$0x3FA5]  }
0x28: {  	s2 =	sld [smem:$0x3FA6]  }
0x29: {  	s4 =	sld [smem:$0x3FA8]  }
0x2a: {  	p0 =	seq.s32 s5, $0x0;
	s5 =	sld [smem:$0x3FA9]  }
0x2b: {  	s6 =	sld [smem:$0x3FAA]  }
0x2c: {  	s7 =	sld [smem:$0x3FAB]  }
0x2d: {  	s3 =	simm.s32 $0x108;
	s8 =	sld [smem:$0x3FAC]  }
0x2e: {  	s3 =	simm.s32 @!p0 $0x1082;
	s9 =	sld [smem:$0x3FAD]  }
0x2f: {  	lr =	sadd.s32 s0, s3;
	s0 =	sld [smem:$0x3FA4]  }
0x30: {  	s3 =	sld [smem:$0x3FA7]  }
0x31: {  	[smem:$0x3FB0] =	sst s10  }
0x32: {  	s10 =	sld [smem:$0x3FAE];
	_ =	sdelay $0x3  }
0x33: {  	p0 =	seq.s32 s10, $0x1;
	s10 =	sld [smem:$0x3FB0];
	_ =	sdelay $0x3  }
0x34: {  	[smem:$0x3FB0] =	sst s10  }
0x35: {  	s10 =	sld [smem:$0x3FAF];
	_ =	sdelay $0x3  }
0x36: {  	p1 =	seq.s32 s10, $0x1;
	s10 =	sld [smem:$0x3FB0];
	_ =	sdelay $0x3  }
0x37: {  	[smem:$0x3FB0] =	sst s10  }
0x38: {  	s10 =	sld [smem:$0x3FB1]  }
0x39: {  	_ = 	snop;
	(pc) =	sbr.ind lr, $3  }
0x3a: {  	_ = 	snop  }
0x3b: {  	_ = 	snop  }
0x3c: {  	p2 =	seq.s32 s10, $0x1;
	s10 =	sld [smem:$0x3FB0]  }
0x3d: {  	_ =	shalt  }
0x3e: {  	_ =	shalt  }
0x3f: {  	_ =	shalt  }
0x40: {  	_ =	shalt  }
0x41: {  	_ =	shalt  }
0x42: {  	_ =	shalt  }
0x43: {  	_ =	shalt  }
0x44: {  	_ =	shalt  }
0x45: {  	_ =	shalt  }
0x46: {  	_ =	shalt  }
0x47: {  	_ =	shalt  }
0x48: {  	_ =	shalt  }
0x49: {  	_ =	shalt  }
0x4a: {  	_ =	shalt  }
0x4b: {  	_ =	shalt  }
0x4c: {  	_ =	shalt  }
0x4d: {  	_ =	shalt  }
0x4e: {  	_ =	shalt  }
0x4f: {  	_ =	shalt  }
0x50: {  	_ =	shalt  }
0x51: {  	_ =	shalt  }
0x52: {  	_ =	shalt  }
0x53: {  	_ =	shalt  }
0x54: {  	_ =	shalt  }
0x55: {  	_ =	shalt  }
0x56: {  	_ =	shalt  }
0x57: {  	_ =	shalt  }
0x58: {  	_ =	shalt  }
0x59: {  	_ =	shalt  }
0x5a: {  	_ =	shalt  }
0x5b: {  	_ =	shalt  }
0x5c: {  	_ =	shalt  }
0x5d: {  	_ =	shalt  }
0x5e: {  	_ =	shalt  }
0x5f: {  	_ =	shalt  }
0x60: {  	_ =	shalt  }
0x61: {  	_ =	shalt  }
0x62: {  	_ =	shalt  }
0x63: {  	_ =	shalt  }
0x64: {  	_ =	shalt  }
0x65: {  	_ =	shalt  }
0x66: {  	_ =	shalt  }
0x67: {  	_ =	shalt  }
0x68: {  	_ =	shalt  }
0x69: {  	_ =	shalt  }
0x6a: {  	_ =	shalt  }
0x6b: {  	_ =	shalt  }
0x6c: {  	_ =	shalt  }
0x6d: {  	_ =	shalt  }
0x6e: {  	_ =	shalt  }
0x6f: {  	_ =	shalt  }
0x70: {  	_ =	shalt  }
0x71: {  	_ =	shalt  }
0x72: {  	_ =	shalt  }
0x73: {  	_ =	shalt  }
0x74: {  	_ =	shalt  }
0x75: {  	_ =	shalt  }
0x76: {  	_ =	shalt  }
0x77: {  	_ =	shalt  }
0x78: {  	_ =	shalt  }
0x79: {  	_ =	shalt  }
0x7a: {  	_ =	shalt  }
0x7b: {  	_ =	shalt  }
0x7c: {  	_ =	shalt  }
0x7d: {  	_ =	shalt  }
0x7e: {  	_ =	shalt  }
0x7f: {  	_ =	shalt  }
0x80: {  	_ =	shalt  }
0x81: {  	_ =	shalt  }
0x82: {  	_ =	shalt  }
0x83: {  	_ =	shalt  }
0x84: {  	_ =	shalt  }
0x85: {  	_ =	shalt  }
0x86: {  	_ =	shalt  }
0x87: {  	_ =	shalt  }
.Lfunc_end0:
.L_simem_size_0:
called_computation.2_lowered:
.L_overlay_start_0:
0x88: {  	s2 =	sld [smem:$0x3FD9]  }
0x89: {  	s3 =	sld [smem:$0x3FFE];
	_ =	sdelay $0x1  }
0x8a: {  	s1 =	srdreg.scid  }
0x8b: {  	s0 =	sand.u32 $0x1, s1  }
0x8c: {  	s16 =	sshll.u32 s0, $0xA;
	s2 =	sadd.s32 s3, s2  }
0x8d: {  	s2 =	sadd.s32 s2, s16  }
0x8e: {  	[smem:$0x3FBC] =	sst s2  }
0x8f: {  	_ = 	snop  }
0x90: {  	(tm) =	ssettm $0x1  }
0x91: {  	s17 =	sld [smem:$0x3FFB];
	_ =	sdelay $0x3  }
0x92: {  	_ =	strace s17  }
0x93: {  	s2 =	sld [smem:$0x3FFC];
	_ =	sdelay $0x3  }
0x94: {  	_ =	strace s2  }
0x95: {  	s2 =	sld [smem:$0x3FFD];
	_ =	sdelay $0x3  }
0x96: {  	_ =	strace s2  }
0x97: {  	_ =	strace $0x8FFFFFFF  }
0x98: {  	s18 =	sld [smem:$0x3FDB];
	_ =	sdelay $0x1  }
0x99: {  	s19 =	simm.s32 $_scs_section_size  }
0x9a: {  	s4 =	simm.s32 $_size__tile_overlayer_lowered;
	s5 =	simm.s32 $_tile_overlayer_lowered  }
0x9b: {  	s22 =	simm.s32 $0x1BFF;
	s21 =	sshll.u32 s5, $0x1;
	s2 =	sadd.s32 s19, s18  }
0x9c: {  	s6 =	simm.s32 $0x0;
	s20 =	sshll.u32 s4, $0x1;
	s4 =	sadd.s32 s21, s2  }
0x9d: {  	[timem:s6], [sflag:s22] =	dma.local [hbm:s4], s20  }
0x9e: {  	_ =	swait.ge [sflag:s22], s20  }
0x9f: {  	s3 =	ssub.s32 $0x0, s20;
	[sflag:s22] =	ssyncset.done $0x0  }
0xa0: {  	[sflag:s22] =	ssyncadd.s32 s3;
	_ =	sdelay $0x1  }
0xa1: {  	s23 =	simm.s32 $0x1B8B  }
0xa2: {  	_ =	swait.ge [sflag:s23], $0x1  }
0xa3: {  	[sflag:s23] =	ssyncset.done $0x0  }
0xa4: {  	s25 =	simm.s32 $0x1B8E;
	s24 =	sld [smem:$0x3FFE];
	[sflag:s23] =	ssyncadd.s32 $0xFFFFFFFF  }
0xa5: {  	s26 =	simm.s32 $execute0_lowered;
	[smem:$0x3FD2] =	sst s25  }
0xa6: {  	s4 =	sshll.u32 s26, $0x1;
	_ =	strace $0x8000004C;
	[dreg:$0x1] =	wrdreg $0xFFFFFFFF  }
0xa7: {  	s28 =	simm.s32 $_size_execute0_lowered;
	s2 =	sadd.s32 s2, s4;
	[dreg:$0x0] =	wrdreg $0x0  }
0xa8: {  	s4 =	sshll.u32 s28, $0x1;
	[dreg:$0x2] =	wrdreg s2  }
0xa9: {  	[dreg:$0x3] =	wrdreg s4  }
0xaa: {  	[dreg:$0x4] =	wrdreg $0xC0  }
0xab: {  	_ =	task [dreg:s6], $0x5FFFF  }
0xac: {  	[dreg:$0x1] =	wrdreg $0xFFFFFFFF  }
0xad: {  	[dreg:$0x0] =	wrdreg $0x60  }
0xae: {  	[dreg:$0x2] =	wrdreg s24  }
0xaf: {  	[dreg:$0x3] =	wrdreg $0xA8000  }
0xb0: {  	[dreg:$0x4] =	wrdreg $0x9  }
0xb1: {  	_ =	task.clear_ibuf [dreg:s6], $0x5FFFF;
	_ =	strace $0x9000004C  }
0xb2: {  	s29 =	simm.s32 $0x9;
	_ =	strace $0x8000004E  }
0xb3: {  	_ =	swait.ge [sflag:s29], $0x1  }
0xb4: {  	[sflag:s29] =	ssyncadd.s32 $0xFFFFFFFF  }
0xb5: {  	_ =	strace $0x9000004E  }
0xb6: {  	_ =	sfence  }
0xb7: {  	s30 =	sld [smem:$0x0];
	_ =	sdelay $0x2  }
0xb8: {  	s31 =	sshll.u32 s1, $0xD;
	s1 =	sshrl.u32 s1, $0x2  }
0xb9: {  	s3 =	sand.u32 $0x4000, s31;
	s1 =	sadd.s32 s1, s30  }
0xba: {  	s0 =	sor.u32 s3, s0;
	s1 =	sshll.u32 s1, $0x11  }
0xbb: {  	s0 =	sor.u32 s1, s0  }
0xbc: {  	s0 =	sadd.s32 $0x8F2B, s0  }
0xbd: {  	[sflag:s0] =	ssyncadd.remote.s32 $0x1  }
0xbe: {  	_ =	sfence.sel $0xFFFF  }
0xbf: {  	[dreg:$0x0] =	wrdreg $0xFFFFFFFF;
	(pc) =	sbr.abs _section_cstart, $3  }
0xc0: {  	[dreg:$0x1] =	wrdreg $0xFFFFFFFF  }
0xc1: {  	_ =	task.clear_ibuf [dreg:s6], $0x2FFFF;
	_ =	strace $0x9FFFFFFF  }
0xc2: {  	(tm) =	ssettm $0x7FFFFFFF  }
0xc3: {  	_ =	shalt  }
tec
execute0_lowered:
.L_overlay_start_1:
0x0: {  	(tag) =	ssettag $0x1  }
0x1: {  	s5 =	rddreg [dreg:$0x0]  }
0x2: {  	s2 =	rddreg [dreg:$0x1];
	s3 =	simm.s32 $0x0  }
0x3: {  	s1 =	stileid.u32;
	s4 =	srdreg.scid;
	s16 =	simm.s32 $0x1400  }
0x4: {  	s17 =	simm.s32 $0x3;
	s18 =	simm.s32 $0x80;
	s19 =	simm.s32 $0x2800  }
0x5: {  	s20 =	simm.s32 $0x6800;
	s21 =	simm.s32 $0x1;
	s22 =	simm.s32 $0x2  }
0x6: {  	s23 =	simm.s32 $0x1380;
	s24 =	simm.s32 $0x2700;
	s25 =	simm.s32 $0x2780  }
0x7: {  	s26 =	simm.s32 $0x0;
	[smem:$0x7FF] =	sst s3;
	s6 =	smul.u32 $0x13C00, s1  }
0x8: {  	s7 =	sand.u32 $0x1, s4;
	s4 =	sadd.s32 $0x17400, s5;
	s10 =	sadd.s32 $0xD400, s5  }
0x9: {  	s11 =	sadd.s32 $0x3400, s5;
	s28 =	smul.u32 $0x4F000, s1;
	s12 =	sshll.u32 s1, $0x1  }
0xa: {  	_ =	strace $0x8000004D;
	s9 =	smul.u32 $0x13C000, s7;
	s13 =	ssub.s32 $0x2, s7  }
0xb: {  	s7 =	sor.u32 s7, s12;
	s8 =	sshrl.u32 s6, $0x3;
	s29 =	sshrl.u32 s13, $0x1  }
0xc: {  	s7 =	smul.u32 $0x2800, s7;
	s8 =	sadd.s32 s8, s5;
	s6 =	sadd.s32 s6, s9  }
0xd: {  	s9 =	sshrl.u32 s28, $0x2;
	s13 =	ssub.s32 s13, s29;
	s6 =	sshrl.u32 s6, $0x3  }
0xe: {  	s15 =	sadd.s32 s9, s2;
	s30 =	sshrl.u32 s7, $0x3;
	s13 =	smax.u32 s13, $0x1  }
0xf: {  	s14 =	sadd.s32 s6, s5;
	s5 =	sadd.s32 $0x48600, s8;
	s6 =	sshll.u32 s1, $0x6  }
0x10: {  	s8 =	sadd.s32 s10, s30;
	s31 =	sadd.s32 $0x280, s30;
	s9 =	sadd.s32 s11, s30  }
0x11: {  	s7 =	sor.u32 $0x1C03, s6;
	s10 =	sadd.s32 s10, s31;
	s11 =	sadd.s32 s11, s31  }
0x12: {  	s12 =	sadd.s32 $0x97000, s14;
	s14 =	sshrl.u32 s15, $0x3;
	s15 =	simm.s32 $0x4  }
.LBB2_1:
0x13: {  	[spmem:s14], [sflag:s7] =	dma.local [hbm:s5], $0x2780  }
0x14: {  	[tilespmem:s3], [sflag:$0x4] =	stream.linear.gather [hbm4b:s8+s3], $0x1400, $0x38;
	[tilespmem:$0x1E400] =	vst v63  }
0x15: {  	_ =	swait.ge [sflag:s15], $0x1400  }
0x16: {  	[sflag:s15] =	ssyncset.done $0x0  }
0x17: {  	[sflag:s15] =	ssyncadd.s32 $0xFFFFEC00  }
0x18: {  	[tilespmem:s16], [sflag:$0x4] =	stream.linear.gather [hbm4b:s9+s3], $0x1400, $0x38;
	[tilespmem:$0x1E400] =	vst v63  }
0x19: {  	_ =	swait.ge [sflag:s15], $0x1400  }
0x1a: {  	[sflag:s15] =	ssyncset.done $0x0  }
0x1b: {  	[sflag:s15] =	ssyncadd.s32 $0xFFFFEC00  }
0x1c: {  	_ =	swait.ge [sflag:s17], $0x2780  }
0x1d: {  	[sflag:s17] =	ssyncset.done $0x0  }
0x1e: {  	[sflag:s17] =	ssyncadd.s32 $0xFFFFD880  }
0x1f: {  	[bflag:$0x0] =	sbarrier.arrive $0xFFFF  }
0x20: {  	[tilespmem:s19], [sflag:$0x1] =	stream.indirect.gather [hbm4b:s4+s18], $0x80, s3, s18, $0xb8;
	[tilespmem:$0x1E400] =	vst v63  }
0x21: {  	s28 =	simm.s32 $0x80  }
0x22: {  	[tilespmem:s20], [sflag:$0x2] =	stream.indirect.gather [hbm4b:s4+s18], $0x80, s28, s18, $0xb8;
	[tilespmem:$0x1E400] =	vst v63  }
0x23: {  	_ =	swait.ge [sflag:s21], $0x4000  }
0x24: {  	[sflag:s21] =	ssyncset.done $0x0  }
0x25: {  	s28 =	simm.s32 $0x1400;
	[sflag:s21] =	ssyncadd.s32 $0xFFFFC000  }
0x26: {  	[spmem:s2] =	stream.indirect.scatter.add.f32 [tilespmem:s19], [sflag:$0x4], $0x80, s28, s18, $0xb8;
	[tilespmem:$0x1E400] =	vst v63  }
0x27: {  	_ =	swait.ge [sflag:s15], $0x4000  }
0x28: {  	[sflag:s15] =	ssyncset.done $0x0  }
0x29: {  	s28 =	simm.s32 $0x100;
	[sflag:s15] =	ssyncadd.s32 $0xFFFFC000  }
0x2a: {  	[tilespmem:s19], [sflag:$0x1] =	stream.indirect.gather [hbm4b:s4+s18], $0x80, s28, s18, $0xb8;
	[tilespmem:$0x1E400] =	vst v63  }
0x2b: {  	_ =	swait.ge [sflag:s22], $0x4000  }
0x2c: {  	[sflag:s22] =	ssyncset.done $0x0  }
0x2d: {  	s28 =	simm.s32 $0x1480;
	[sflag:s22] =	ssyncadd.s32 $0xFFFFC000  }
0x2e: {  	[spmem:s2] =	stream.indirect.scatter.add.f32 [tilespmem:s20], [sflag:$0x4], $0x80, s28, s18, $0xb8;
	[tilespmem:$0x1E400] =	vst v63  }
0x2f: {  	_ =	swait.ge [sflag:s15], $0x4000  }
0x30: {  	s29 =	simm.s32 $0x800;
	s28 =	simm.s32 $0x100;
	[sflag:s15] =	ssyncset.done $0x0  }
.LBB2_2:
0x31: {  	s30 =	sadd.s32 $0x80, s28  }
0x32: {  	[sflag:s15] =	ssyncadd.s32 $0xFFFFC000;
	s31 =	smov.u32 s29;
	s0 =	sadd.s32 $0x400, s29  }
0x33: {  	[tilespmem:s20], [sflag:$0x2] =	stream.indirect.gather [hbm4b:s4+s18], $0x80, s30, s18, $0xb8;
	[tilespmem:$0x1E400] =	vst v63  }
0x34: {  	p0 =	sne.s32 s29, $0x4800;
	_ =	swait.ge [sflag:s21], $0x4000  }
0x35: {  	[sflag:s21] =	ssyncset.done $0x0  }
0x36: {  	s29 =	sadd.s32 $0x1400, s28;
	[sflag:s21] =	ssyncadd.s32 $0xFFFFC000  }
0x37: {  	[spmem:s2] =	stream.indirect.scatter.add.f32 [tilespmem:s19], [sflag:$0x4], $0x80, s29, s18, $0xb8;
	[tilespmem:$0x1E400] =	vst v63  }
0x38: {  	_ =	swait.ge [sflag:s15], $0x4000  }
0x39: {  	[sflag:s15] =	ssyncset.done $0x0  }
0x3a: {  	s29 =	sadd.s32 $0x100, s28;
	[sflag:s15] =	ssyncadd.s32 $0xFFFFC000  }
0x3b: {  	[tilespmem:s19], [sflag:$0x1] =	stream.indirect.gather [hbm4b:s4+s18], $0x80, s29, s18, $0xb8;
	[tilespmem:$0x1E400] =	vst v63  }
0x3c: {  	_ =	swait.ge [sflag:s22], $0x4000  }
.Ltmp0:
0x3d: {  	[sflag:s22] =	ssyncset.done $0x0;
	(pc) =	sbr.rel @p0 .LBB2_2-.Ltmp0, $4  }
0x3e: {  	s28 =	sadd.s32 $0x1480, s28;
	[sflag:s22] =	ssyncadd.s32 $0xFFFFC000  }
0x3f: {  	[spmem:s2] =	stream.indirect.scatter.add.f32 [tilespmem:s20], [sflag:$0x4], $0x80, s28, s18, $0xb8;
	[tilespmem:$0x1E400] =	vst v63  }
0x40: {  	_ =	swait.ge [sflag:s15], $0x4000  }
0x41: {  	s29 =	smov.u32 s0;
	s28 =	sshra.s32 s31, $0x2;
	[sflag:s15] =	ssyncset.done $0x0  }
0x42: {  	s0 =	sadd.s32 $0x80, s28;
	[sflag:s15] =	ssyncadd.s32 $0xFFFFC000  }
0x43: {  	[tilespmem:s20], [sflag:$0x2] =	stream.indirect.gather [hbm4b:s4+s18], $0x80, s0, s18, $0xb8;
	[tilespmem:$0x1E400] =	vst v63  }
0x44: {  	_ =	swait.ge [sflag:s21], $0x4000  }
0x45: {  	[sflag:s21] =	ssyncset.done $0x0  }
0x46: {  	s30 =	sadd.s32 $0x1400, s28;
	[sflag:s21] =	ssyncadd.s32 $0xFFFFC000  }
0x47: {  	[spmem:s2] =	stream.indirect.scatter.add.f32 [tilespmem:s19], [sflag:$0x4], $0x80, s30, s18, $0xb8;
	[tilespmem:$0x1E400] =	vst v63  }
0x48: {  	_ =	swait.ge [sflag:s15], $0x4000  }
0x49: {  	[sflag:s15] =	ssyncset.done $0x0  }
0x4a: {  	s31 =	sadd.s32 $0x100, s28;
	[sflag:s15] =	ssyncadd.s32 $0xFFFFC000  }
0x4b: {  	[tilespmem:s19], [sflag:$0x1] =	stream.indirect.gather [hbm4b:s4+s18], $0x80, s31, s18, $0xb8;
	[tilespmem:$0x1E400] =	vst v63  }
0x4c: {  	_ =	swait.ge [sflag:s22], $0x4000  }
0x4d: {  	[sflag:s22] =	ssyncset.done $0x0  }
0x4e: {  	s30 =	sadd.s32 $0x1480, s28;
	[sflag:s22] =	ssyncadd.s32 $0xFFFFC000  }
0x4f: {  	[spmem:s2] =	stream.indirect.scatter.add.f32 [tilespmem:s20], [sflag:$0x4], $0x80, s30, s18, $0xb8;
	[tilespmem:$0x1E400] =	vst v63  }
0x50: {  	_ =	swait.ge [sflag:s15], $0x4000  }
0x51: {  	[sflag:s15] =	ssyncset.done $0x0  }
0x52: {  	[sflag:s15] =	ssyncadd.s32 $0xFFFFC000  }
0x53: {  	[tilespmem:s20], [sflag:$0x2] =	stream.indirect.gather [hbm4b:s4+s18], $0x80, s23, s18, $0xb8;
	[tilespmem:$0x1E400] =	vst v63  }
0x54: {  	_ =	swait.ge [sflag:s21], $0x4000  }
0x55: {  	[sflag:s21] =	ssyncset.done $0x0  }
0x56: {  	[sflag:s21] =	ssyncadd.s32 $0xFFFFC000  }
0x57: {  	[spmem:s2] =	stream.indirect.scatter.add.f32 [tilespmem:s19], [sflag:$0x4], $0x80, s24, s18, $0xb8;
	[tilespmem:$0x1E400] =	vst v63  }
0x58: {  	_ =	swait.ge [sflag:s15], $0x4000  }
0x59: {  	[sflag:s15] =	ssyncset.done $0x0  }
0x5a: {  	[sflag:s15] =	ssyncadd.s32 $0xFFFFC000  }
0x5b: {  	_ =	swait.ge [sflag:s22], $0x4000  }
0x5c: {  	[sflag:s22] =	ssyncset.done $0x0  }
0x5d: {  	[sflag:s22] =	ssyncadd.s32 $0xFFFFC000  }
0x5e: {  	[spmem:s2] =	stream.indirect.scatter.add.f32 [tilespmem:s20], [sflag:$0x4], $0x80, s25, s18, $0xb8;
	[tilespmem:$0x1E400] =	vst v63  }
0x5f: {  	_ =	swait.ge [sflag:s15], $0x4000  }
0x60: {  	[sflag:s15] =	ssyncset.done $0x0  }
0x61: {  	s31 =	simm.s32 $0x0;
	[sflag:s15] =	ssyncadd.s32 $0xFFFFC000  }
0x62: {  	[tilespmem:s31], [sflag:$0x4] =	stream.linear.gather [hbm4b:s10+s31], $0x1400, $0x38;
	[tilespmem:$0x1E400] =	vst v63  }
0x63: {  	_ =	swait.ge [sflag:s15], $0x1400  }
0x64: {  	[sflag:s15] =	ssyncset.done $0x0  }
0x65: {  	[sflag:s15] =	ssyncadd.s32 $0xFFFFEC00  }
0x66: {  	[tilespmem:s16], [sflag:$0x4] =	stream.linear.gather [hbm4b:s11+s31], $0x1400, $0x38;
	[tilespmem:$0x1E400] =	vst v63  }
0x67: {  	_ =	swait.ge [sflag:s15], $0x1400  }
0x68: {  	[sflag:s15] =	ssyncset.done $0x0  }
0x69: {  	[sflag:s15] =	ssyncadd.s32 $0xFFFFEC00  }
0x6a: {  	[tilespmem:s19], [sflag:$0x1] =	stream.indirect.gather [hbm4b:s4+s18], $0x80, s31, s18, $0xb8;
	[tilespmem:$0x1E400] =	vst v63  }
0x6b: {  	s30 =	simm.s32 $0x80  }
0x6c: {  	[tilespmem:s20], [sflag:$0x2] =	stream.indirect.gather [hbm4b:s4+s18], $0x80, s30, s18, $0xb8;
	[tilespmem:$0x1E400] =	vst v63  }
0x6d: {  	_ =	swait.ge [sflag:s21], $0x4000  }
0x6e: {  	[sflag:s21] =	ssyncset.done $0x0  }
0x6f: {  	s31 =	simm.s32 $0x1400;
	[sflag:s21] =	ssyncadd.s32 $0xFFFFC000  }
0x70: {  	[spmem:s2] =	stream.indirect.scatter.add.f32 [tilespmem:s19], [sflag:$0x4], $0x80, s31, s18, $0xb8;
	[tilespmem:$0x1E400] =	vst v63  }
0x71: {  	_ =	swait.ge [sflag:s15], $0x4000  }
0x72: {  	[sflag:s15] =	ssyncset.done $0x0  }
0x73: {  	s30 =	simm.s32 $0x100;
	[sflag:s15] =	ssyncadd.s32 $0xFFFFC000  }
0x74: {  	[tilespmem:s19], [sflag:$0x1] =	stream.indirect.gather [hbm4b:s4+s18], $0x80, s30, s18, $0xb8;
	[tilespmem:$0x1E400] =	vst v63  }
0x75: {  	_ =	swait.ge [sflag:s22], $0x4000  }
0x76: {  	[sflag:s22] =	ssyncset.done $0x0  }
0x77: {  	s31 =	simm.s32 $0x1480;
	[sflag:s22] =	ssyncadd.s32 $0xFFFFC000  }
0x78: {  	[spmem:s2] =	stream.indirect.scatter.add.f32 [tilespmem:s20], [sflag:$0x4], $0x80, s31, s18, $0xb8;
	[tilespmem:$0x1E400] =	vst v63  }
0x79: {  	_ =	swait.ge [sflag:s15], $0x4000  }
0x7a: {  	s29 =	simm.s32 $0x800;
	s28 =	simm.s32 $0x100;
	[sflag:s15] =	ssyncset.done $0x0  }
.LBB2_4:
0x7b: {  	s0 =	sadd.s32 $0x80, s28  }
0x7c: {  	[sflag:s15] =	ssyncadd.s32 $0xFFFFC000;
	s30 =	smov.u32 s29;
	s31 =	sadd.s32 $0x400, s29  }
0x7d: {  	[tilespmem:s20], [sflag:$0x2] =	stream.indirect.gather [hbm4b:s4+s18], $0x80, s0, s18, $0xb8;
	[tilespmem:$0x1E400] =	vst v63  }
0x7e: {  	p0 =	sne.s32 s29, $0x4800;
	_ =	swait.ge [sflag:s21], $0x4000  }
0x7f: {  	[sflag:s21] =	ssyncset.done $0x0  }
0x80: {  	s0 =	sadd.s32 $0x1400, s28;
	[sflag:s21] =	ssyncadd.s32 $0xFFFFC000  }
0x81: {  	[spmem:s2] =	stream.indirect.scatter.add.f32 [tilespmem:s19], [sflag:$0x4], $0x80, s0, s18, $0xb8;
	[tilespmem:$0x1E400] =	vst v63  }
0x82: {  	_ =	swait.ge [sflag:s15], $0x4000  }
0x83: {  	[sflag:s15] =	ssyncset.done $0x0  }
0x84: {  	s0 =	sadd.s32 $0x100, s28;
	[sflag:s15] =	ssyncadd.s32 $0xFFFFC000  }
0x85: {  	[tilespmem:s19], [sflag:$0x1] =	stream.indirect.gather [hbm4b:s4+s18], $0x80, s0, s18, $0xb8;
	[tilespmem:$0x1E400] =	vst v63  }
0x86: {  	_ =	swait.ge [sflag:s22], $0x4000  }
.Ltmp1:
0x87: {  	[sflag:s22] =	ssyncset.done $0x0;
	(pc) =	sbr.rel @p0 .LBB2_4-.Ltmp1, $4  }
0x88: {  	s0 =	sadd.s32 $0x1480, s28;
	[sflag:s22] =	ssyncadd.s32 $0xFFFFC000  }
0x89: {  	[spmem:s2] =	stream.indirect.scatter.add.f32 [tilespmem:s20], [sflag:$0x4], $0x80, s0, s18, $0xb8;
	[tilespmem:$0x1E400] =	vst v63  }
0x8a: {  	_ =	swait.ge [sflag:s15], $0x4000  }
0x8b: {  	s29 =	smov.u32 s31;
	s28 =	sshra.s32 s30, $0x2;
	[sflag:s15] =	ssyncset.done $0x0  }
0x8c: {  	s0 =	sadd.s32 $0x80, s28;
	[sflag:s15] =	ssyncadd.s32 $0xFFFFC000  }
0x8d: {  	[tilespmem:s20], [sflag:$0x2] =	stream.indirect.gather [hbm4b:s4+s18], $0x80, s0, s18, $0xb8;
	[tilespmem:$0x1E400] =	vst v63  }
0x8e: {  	_ =	swait.ge [sflag:s21], $0x4000  }
0x8f: {  	[sflag:s21] =	ssyncset.done $0x0  }
0x90: {  	s31 =	sadd.s32 $0x1400, s28;
	[sflag:s21] =	ssyncadd.s32 $0xFFFFC000  }
0x91: {  	[spmem:s2] =	stream.indirect.scatter.add.f32 [tilespmem:s19], [sflag:$0x4], $0x80, s31, s18, $0xb8;
	[tilespmem:$0x1E400] =	vst v63  }
0x92: {  	_ =	swait.ge [sflag:s15], $0x4000  }
0x93: {  	[sflag:s15] =	ssyncset.done $0x0  }
0x94: {  	s29 =	sadd.s32 $0x100, s28;
	[sflag:s15] =	ssyncadd.s32 $0xFFFFC000  }
0x95: {  	[tilespmem:s19], [sflag:$0x1] =	stream.indirect.gather [hbm4b:s4+s18], $0x80, s29, s18, $0xb8;
	[tilespmem:$0x1E400] =	vst v63  }
0x96: {  	_ =	swait.ge [sflag:s22], $0x4000  }
0x97: {  	[sflag:s22] =	ssyncset.done $0x0  }
0x98: {  	s30 =	sadd.s32 $0x1480, s28;
	[sflag:s22] =	ssyncadd.s32 $0xFFFFC000  }
0x99: {  	[spmem:s2] =	stream.indirect.scatter.add.f32 [tilespmem:s20], [sflag:$0x4], $0x80, s30, s18, $0xb8;
	[tilespmem:$0x1E400] =	vst v63  }
0x9a: {  	_ =	swait.ge [sflag:s15], $0x4000  }
0x9b: {  	[sflag:s15] =	ssyncset.done $0x0  }
0x9c: {  	[sflag:s15] =	ssyncadd.s32 $0xFFFFC000  }
0x9d: {  	[tilespmem:s20], [sflag:$0x2] =	stream.indirect.gather [hbm4b:s4+s18], $0x80, s23, s18, $0xb8;
	[tilespmem:$0x1E400] =	vst v63  }
0x9e: {  	_ =	swait.ge [sflag:s21], $0x4000  }
0x9f: {  	[sflag:s21] =	ssyncset.done $0x0  }
0xa0: {  	[sflag:s21] =	ssyncadd.s32 $0xFFFFC000  }
0xa1: {  	[spmem:s2] =	stream.indirect.scatter.add.f32 [tilespmem:s19], [sflag:$0x4], $0x80, s24, s18, $0xb8;
	[tilespmem:$0x1E400] =	vst v63  }
0xa2: {  	_ =	swait.ge [sflag:s15], $0x4000  }
0xa3: {  	[sflag:s15] =	ssyncset.done $0x0  }
0xa4: {  	[sflag:s15] =	ssyncadd.s32 $0xFFFFC000  }
0xa5: {  	_ =	swait.ge [sflag:s22], $0x4000  }
0xa6: {  	[sflag:s22] =	ssyncset.done $0x0  }
0xa7: {  	[sflag:s22] =	ssyncadd.s32 $0xFFFFC000  }
0xa8: {  	[spmem:s2] =	stream.indirect.scatter.add.f32 [tilespmem:s20], [sflag:$0x4], $0x80, s25, s18, $0xb8;
	[tilespmem:$0x1E400] =	vst v63  }
0xa9: {  	_ =	swait.ge [sflag:s15], $0x4000  }
0xaa: {  	s26 =	sadd.s32 $0x1, s26;
	[sflag:s15] =	ssyncset.done $0x0  }
0xab: {  	p0 =	sne.s32 s26, s13;
	[sflag:s15] =	ssyncadd.s32 $0xFFFFC000  }
.Ltmp2:
0xac: {  	s31 =	sor.u32 $0x1C04, s6;
	[bflag:$0x0] =	sbarrier.arrive $0xFFFF;
	(pc) =	sbr.rel @p0 .LBB2_1-.Ltmp2, $4  }
0xad: {  	[hbm:s12], [sflag:s31] =	dma.local [spmem:s14], $0x2780  }
0xae: {  	_ =	swait.ge [sflag:s15], $0x2780  }
0xaf: {  	[sflag:s15] =	ssyncset.done $0x0  }
0xb0: {  	[sflag:s15] =	ssyncadd.s32 $0xFFFFD880  }
0xb1: {  	_ =	sfence.sel $0x180000  }
0xb2: {  	[bflag:$0x0] =	sbarrier.arrive $0xFFFF  }
0xb3: {  	_ =	strace $0x9000004D  }
0xb4: {  	[bflag:$0x2] =	sbarrier.arrive $0xFFFF  }
0xb5: {  	p0 =	sne.s32 s1, $0x0;
	s0 =	rddreg [dreg:$0x2]  }
0xb6: {  	s0 =	sadd.s32 @!p0 $0x100000, s0  }
0xb7: {  	[sflag:s0] =	ssyncadd.tile.s32 @!p0 $0x1;
	_ =	shalt  }
.Lfunc_end2:
_tile_overlayer_lowered:
.L_overlay_start_2:
0xb8: {  	(tag) =	ssettag $0x2  }
0xb9: {  	s0 =	rddreg [dreg:$0x0];
	s2 =	stileid.u32  }
0xba: {  	s1 =	rddreg [dreg:$0x1];
	p0 =	sne.s32 s2, $0x0  }
0xbb: {  	s3 =	rddreg [dreg:$0x2];
	[bflag:$0x3] =	sbarrier.arrive $0xFFFF;
	s2 =	simm.s32 @!p0 $0x1C04  }
0xbc: {  	[timem:s3], [sflag:s2] =	dma.local @!p0 [hbm:s0], s1  }
0xbd: {  	s0 =	simm.s32 @!p0 $0x4  }
0xbe: {  	_ =	swait.ge @!p0 [sflag:s0], s1  }
0xbf: {  	s1 =	ssub.s32 @!p0 $0x0, s1;
	[sflag:s0] =	ssyncset.done @!p0 $0x0  }
0xc0: {  	[sflag:s0] =	ssyncadd.s32 @!p0 s1  }
0xc1: {  	[bflag:$0x3] =	sbarrier.arrive $0xFFFF  }
0xc2: {  	_ =	shalt  }

// kernel: kernel.9.cloned.1.call-start
scs
__scs_entry_jumppad:
0x0: {  	(pc) =	sbr.rel $0x88, $3  }
0x1: {  	(tag) =	ssettag $0x0;
	lr =	simm.s32 $0x1  }
0x2: {  	[smem:$0x3F95] =	sst lr;
	_ =	strace $0xD0000000  }
0x3: {  	_ = 	snop  }
0x4: {  	_ = 	snop  }
0x5: {  	_ = 	snop  }
0x6: {  	_ = 	snop  }
0x7: {  	_ = 	snop  }
__scs_overlays_trampoline_lowered:
0x8: {  	[smem:$0x3FA4] =	sst s0  }
0x9: {  	[smem:$0x3FA5] =	sst s1  }
0xa: {  	[smem:$0x3FA6] =	sst s2  }
0xb: {  	[smem:$0x3FA7] =	sst s3  }
0xc: {  	[smem:$0x3FA8] =	sst s4  }
0xd: {  	[smem:$0x3FA9] =	sst s5  }
0xe: {  	[smem:$0x3FAA] =	sst s6  }
0xf: {  	[smem:$0x3FAB] =	sst s7  }
0x10: {  	[smem:$0x3FAC] =	sst s8  }
0x11: {  	[smem:$0x3FAD] =	sst s9;
	s0 =	simm.s32 @!p0 $0x0  }
0x12: {  	s1 =	sld [smem:$0x3F93];
	s0 =	simm.s32 @p0 $0x1  }
0x13: {  	[smem:$0x3FAE] =	sst s0;
	s0 =	simm.s32 @!p1 $0x0  }
0x14: {  	s2 =	sld [smem:$0x3F92];
	s0 =	simm.s32 @p1 $0x1  }
0x15: {  	[smem:$0x3FAF] =	sst s0;
	s0 =	simm.s32 @!p2 $0x0  }
0x16: {  	s3 =	sld [smem:$0x3FDB];
	s0 =	simm.s32 @p2 $0x1  }
0x17: {  	s4 =	simm.s32 $0x1BF5;
	[smem:$0x3FB1] =	sst s0  }
0x18: {  	s0 =	sld [smem:$0x3F94];
	_ =	swait.ge [sflag:s4], $0x0  }
0x19: {  	s7 =	sld [smem:$0x3F95]  }
0x1a: {  	s8 =	sadd.s32 $0xFFFFE003, lr  }
0x1b: {  	s9 =	sadd.s32 $0xFFFFFEF7, lr;
	s5 =	simm.s32 $0xFFFFFFFF;
	p2 =	slt.u32 s8, $0xFFFFF086  }
0x1c: {  	p1 =	slt.u32 s9, $0xF7A;
	s5 =	simm.s32 @!p2 $0x0  }
0x1d: {  	s5 =	simm.s32 @p1 $0x1;
	p0 =	seq.s32 s7, s2  }
0x1e: {  	s7 =	smul.u32 @!p0 $0xF7A, s2;
	p2 =	seq.s32 @!p0 s5, $0x0  }
0x1f: {  	s9 =	smul.u32 $0xF7A, s1;
	s8 =	simm.s32 @!p0 $0x1BF5;
	p2 =	por !p2, p0  }
0x20: {  	[sflag:s8] =	ssyncset.s32 @!p0 $0xFFFFF086;
	s6 =	sadd.s32 @!p0 s3, s7;
	s7 =	simm.s32 @!p0 $0x108  }
0x21: {  	s3 =	sadd.s32 s3, s9;
	s6 =	sadd.s32 @!p0 $0x88, s6;
	s7 =	simm.s32 @p2 $0x1082  }
0x22: {  	[simem:s7], [sflag:s8] =	dma.local @!p0 [hbm:s6], $0xF7A  }
0x23: {  	s9 =	sor.u32 $0xD0000000, s2;
	s6 =	simm.s32 $0x108;
	_ =	swait.ge @!p0 [sflag:s8], $0x0  }
0x24: {  	s3 =	sadd.s32 $0x88, s3;
	s6 =	simm.s32 @!p1 $0x1082;
	[sflag:s4] =	ssyncset.s32 $0xFFFFF086  }
0x25: {  	[simem:s6], [sflag:s4] =	dma.local [hbm:s3], $0xF7A  }
0x26: {  	[smem:$0x3F95] =	sst s1;
	(tag) =	ssettag s2;
	_ =	strace s9  }
0x27: {  	s1 =	sld [smem:$0x3FA5]  }
0x28: {  	s2 =	sld [smem:$0x3FA6]  }
0x29: {  	s4 =	sld [smem:$0x3FA8]  }
0x2a: {  	p0 =	seq.s32 s5, $0x0;
	s5 =	sld [smem:$0x3FA9]  }
0x2b: {  	s6 =	sld [smem:$0x3FAA]  }
0x2c: {  	s7 =	sld [smem:$0x3FAB]  }
0x2d: {  	s3 =	simm.s32 $0x108;
	s8 =	sld [smem:$0x3FAC]  }
0x2e: {  	s3 =	simm.s32 @!p0 $0x1082;
	s9 =	sld [smem:$0x3FAD]  }
0x2f: {  	lr =	sadd.s32 s0, s3;
	s0 =	sld [smem:$0x3FA4]  }
0x30: {  	s3 =	sld [smem:$0x3FA7]  }
0x31: {  	[smem:$0x3FB0] =	sst s10  }
0x32: {  	s10 =	sld [smem:$0x3FAE];
	_ =	sdelay $0x3  }
0x33: {  	p0 =	seq.s32 s10, $0x1;
	s10 =	sld [smem:$0x3FB0];
	_ =	sdelay $0x3  }
0x34: {  	[smem:$0x3FB0] =	sst s10  }
0x35: {  	s10 =	sld [smem:$0x3FAF];
	_ =	sdelay $0x3  }
0x36: {  	p1 =	seq.s32 s10, $0x1;
	s10 =	sld [smem:$0x3FB0];
	_ =	sdelay $0x3  }
0x37: {  	[smem:$0x3FB0] =	sst s10  }
0x38: {  	s10 =	sld [smem:$0x3FB1]  }
0x39: {  	_ = 	snop;
	(pc) =	sbr.ind lr, $3  }
0x3a: {  	_ = 	snop  }
0x3b: {  	_ = 	snop  }
0x3c: {  	p2 =	seq.s32 s10, $0x1;
	s10 =	sld [smem:$0x3FB0]  }
0x3d: {  	_ =	shalt  }
0x3e: {  	_ =	shalt  }
0x3f: {  	_ =	shalt  }
0x40: {  	_ =	shalt  }
0x41: {  	_ =	shalt  }
0x42: {  	_ =	shalt  }
0x43: {  	_ =	shalt  }
0x44: {  	_ =	shalt  }
0x45: {  	_ =	shalt  }
0x46: {  	_ =	shalt  }
0x47: {  	_ =	shalt  }
0x48: {  	_ =	shalt  }
0x49: {  	_ =	shalt  }
0x4a: {  	_ =	shalt  }
0x4b: {  	_ =	shalt  }
0x4c: {  	_ =	shalt  }
0x4d: {  	_ =	shalt  }
0x4e: {  	_ =	shalt  }
0x4f: {  	_ =	shalt  }
0x50: {  	_ =	shalt  }
0x51: {  	_ =	shalt  }
0x52: {  	_ =	shalt  }
0x53: {  	_ =	shalt  }
0x54: {  	_ =	shalt  }
0x55: {  	_ =	shalt  }
0x56: {  	_ =	shalt  }
0x57: {  	_ =	shalt  }
0x58: {  	_ =	shalt  }
0x59: {  	_ =	shalt  }
0x5a: {  	_ =	shalt  }
0x5b: {  	_ =	shalt  }
0x5c: {  	_ =	shalt  }
0x5d: {  	_ =	shalt  }
0x5e: {  	_ =	shalt  }
0x5f: {  	_ =	shalt  }
0x60: {  	_ =	shalt  }
0x61: {  	_ =	shalt  }
0x62: {  	_ =	shalt  }
0x63: {  	_ =	shalt  }
0x64: {  	_ =	shalt  }
0x65: {  	_ =	shalt  }
0x66: {  	_ =	shalt  }
0x67: {  	_ =	shalt  }
0x68: {  	_ =	shalt  }
0x69: {  	_ =	shalt  }
0x6a: {  	_ =	shalt  }
0x6b: {  	_ =	shalt  }
0x6c: {  	_ =	shalt  }
0x6d: {  	_ =	shalt  }
0x6e: {  	_ =	shalt  }
0x6f: {  	_ =	shalt  }
0x70: {  	_ =	shalt  }
0x71: {  	_ =	shalt  }
0x72: {  	_ =	shalt  }
0x73: {  	_ =	shalt  }
0x74: {  	_ =	shalt  }
0x75: {  	_ =	shalt  }
0x76: {  	_ =	shalt  }
0x77: {  	_ =	shalt  }
0x78: {  	_ =	shalt  }
0x79: {  	_ =	shalt  }
0x7a: {  	_ =	shalt  }
0x7b: {  	_ =	shalt  }
0x7c: {  	_ =	shalt  }
0x7d: {  	_ =	shalt  }
0x7e: {  	_ =	shalt  }
0x7f: {  	_ =	shalt  }
0x80: {  	_ =	shalt  }
0x81: {  	_ =	shalt  }
0x82: {  	_ =	shalt  }
0x83: {  	_ =	shalt  }
0x84: {  	_ =	shalt  }
0x85: {  	_ =	shalt  }
0x86: {  	_ =	shalt  }
0x87: {  	_ =	shalt  }
.Lfunc_end0:
.L_simem_size_0:
called_computation_lowered:
.L_overlay_start_0:
0x88: {  	s2 =	sld [smem:$0x3FD9]  }
0x89: {  	s3 =	sld [smem:$0x3FFE];
	_ =	sdelay $0x1  }
0x8a: {  	s1 =	srdreg.scid  }
0x8b: {  	s0 =	sand.u32 $0x1, s1  }
0x8c: {  	s14 =	sshll.u32 s0, $0xA;
	s2 =	sadd.s32 s3, s2  }
0x8d: {  	s2 =	sadd.s32 s2, s14  }
0x8e: {  	[smem:$0x3FBC] =	sst s2  }
0x8f: {  	_ = 	snop  }
0x90: {  	s2 =	sld [smem:$0x3FD0];
	_ =	sdelay $0x2  }
0x91: {  	s15 =	simm.s32 $0xA;
	s4 =	simm.s32 $0x10  }
0x92: {  	[smem:s4], [sflag:s15] =	dma.local [hbm:s2], $0x1  }
0x93: {  	_ =	swait.eq [sflag:s15], $0x1  }
0x94: {  	[sflag:s15] =	ssyncset.done $0x0  }
0x95: {  	[sflag:s15] =	ssyncadd.s32 $0xFFFFFFFF  }
0x96: {  	s16 =	sld [smem:$0x11];
	(tm) =	ssettm $0x1  }
0x97: {  	s17 =	sld [smem:$0x3FFB];
	_ =	sdelay $0x3  }
0x98: {  	_ =	strace s17  }
0x99: {  	s3 =	sld [smem:$0x3FFC];
	_ =	sdelay $0x3  }
0x9a: {  	_ =	strace s3  }
0x9b: {  	s3 =	sld [smem:$0x3FFD];
	_ =	sdelay $0x3  }
0x9c: {  	_ =	strace s3  }
0x9d: {  	_ =	strace $0x8FFFFFFF  }
0x9e: {  	s18 =	sld [smem:$0x3FDB];
	_ =	sdelay $0x1  }
0x9f: {  	s19 =	simm.s32 $_scs_section_size  }
0xa0: {  	s5 =	simm.s32 $_size__tile_overlayer_lowered;
	s6 =	simm.s32 $_tile_overlayer_lowered  }
0xa1: {  	s22 =	simm.s32 $0x1BFF;
	s21 =	sshll.u32 s6, $0x1;
	s3 =	sadd.s32 s19, s18  }
0xa2: {  	s7 =	simm.s32 $0x0;
	s20 =	sshll.u32 s5, $0x1;
	s5 =	sadd.s32 s21, s3  }
0xa3: {  	[timem:s7], [sflag:s22] =	dma.local [hbm:s5], s20  }
0xa4: {  	_ =	swait.ge [sflag:s22], s20  }
0xa5: {  	s4 =	ssub.s32 $0x0, s20;
	[sflag:s22] =	ssyncset.done $0x0  }
0xa6: {  	[sflag:s22] =	ssyncadd.s32 s4;
	_ =	sdelay $0x1  }
0xa7: {  	s23 =	simm.s32 $0x1B8B  }
0xa8: {  	_ =	swait.ge [sflag:s23], $0x1  }
0xa9: {  	[sflag:s23] =	ssyncset.done $0x0  }
0xaa: {  	s25 =	simm.s32 $0x1B8E;
	s24 =	sld [smem:$0x3FFE];
	[sflag:s23] =	ssyncadd.s32 $0xFFFFFFFF  }
0xab: {  	s26 =	simm.s32 $execute0_lowered;
	[smem:$0x3FD2] =	sst s25  }
0xac: {  	s5 =	sshll.u32 s26, $0x1;
	_ =	strace $0x80000046;
	[dreg:$0x1] =	wrdreg $0xFFFFFFFF  }
0xad: {  	s28 =	simm.s32 $_size_execute0_lowered;
	s3 =	sadd.s32 s3, s5;
	[dreg:$0x0] =	wrdreg $0x0  }
0xae: {  	s5 =	sshll.u32 s28, $0x1;
	[dreg:$0x2] =	wrdreg s3  }
0xaf: {  	[dreg:$0x3] =	wrdreg s5  }
0xb0: {  	[dreg:$0x4] =	wrdreg $0xC0  }
0xb1: {  	_ =	task [dreg:s7], $0x5FFFF  }
0xb2: {  	[dreg:$0x1] =	wrdreg $0xFFFFFFFF  }
0xb3: {  	[dreg:$0x0] =	wrdreg $0x60  }
0xb4: {  	[dreg:$0x2] =	wrdreg s24  }
0xb5: {  	[dreg:$0x3] =	wrdreg s16  }
0xb6: {  	[dreg:$0x4] =	wrdreg $0x9  }
0xb7: {  	_ =	task.clear_ibuf [dreg:s7], $0x5FFFF;
	_ =	strace $0x90000046  }
0xb8: {  	s29 =	simm.s32 $0x9;
	_ =	strace $0x80000048  }
0xb9: {  	_ =	swait.ge [sflag:s29], $0x1  }
0xba: {  	[sflag:s29] =	ssyncadd.s32 $0xFFFFFFFF  }
0xbb: {  	_ =	strace $0x90000048  }
0xbc: {  	_ =	sfence  }
0xbd: {  	s30 =	sld [smem:$0x0];
	_ =	sdelay $0x2  }
0xbe: {  	s31 =	sshll.u32 s1, $0xD;
	s1 =	sshrl.u32 s1, $0x2  }
0xbf: {  	s3 =	sand.u32 $0x4000, s31;
	s1 =	sadd.s32 s1, s30  }
0xc0: {  	s0 =	sor.u32 s3, s0;
	s1 =	sshll.u32 s1, $0x11  }
0xc1: {  	s0 =	sor.u32 s1, s0  }
0xc2: {  	s0 =	sadd.s32 $0x8F2B, s0  }
0xc3: {  	[sflag:s0] =	ssyncadd.remote.s32 $0x1  }
0xc4: {  	_ =	sfence.sel $0xFFFF  }
0xc5: {  	[dreg:$0x0] =	wrdreg $0xFFFFFFFF;
	(pc) =	sbr.abs _section_cstart, $3  }
0xc6: {  	[dreg:$0x1] =	wrdreg $0xFFFFFFFF  }
0xc7: {  	_ =	task.clear_ibuf [dreg:s7], $0x2FFFF;
	_ =	strace $0x9FFFFFFF  }
0xc8: {  	(tm) =	ssettm $0x7FFFFFFF  }
0xc9: {  	_ =	shalt  }
tec
execute0_lowered:
.L_overlay_start_1:
0x0: {  	(tag) =	ssettag $0x1  }
0x1: {  	s1 =	srdreg.scid;
	s0 =	stileid.u32  }
0x2: {  	s4 =	rddreg [dreg:$0x0];
	s5 =	sand.u32 $0x1, s1;
	s3 =	sshll.u32 s0, $0x1  }
0x3: {  	s2 =	rddreg [dreg:$0x1];
	s6 =	sor.u32 s5, s3  }
0x4: {  	s8 =	simm.s32 $0x2800;
	s9 =	simm.s32 $0x0;
	s6 =	smul.u32 $0x500, s6  }
0x5: {  	s1 =	rddreg [dreg:$0x2];
	s3 =	simm.s32 $0x0;
	s5 =	ssub.s32 $0x2, s5  }
0x6: {  	[smem:$0x7FF] =	sst s3;
	s7 =	sshrl.u32 s5, $0x1;
	s6 =	sadd.s32 s6, s4  }
0x7: {  	_ =	strace $0x80000047;
	s7 =	ssub.s32 s5, s7;
	s4 =	sadd.s32 $0x3400, s6  }
0x8: {  	s5 =	sadd.s32 $0x17400, s6;
	s6 =	smax.u32 s7, $0x1;
	s7 =	simm.s32 $0x1  }
.LBB2_1:
0x9: {  	[tilespmem:s3], [sflag:$0x1] =	stream.linear.gather [hbm4b:s4+s3], $0x2800, $0x38;
	[tilespmem:$0x5000] =	vst v63  }
0xa: {  	_ =	swait.ge [sflag:s7], $0x2800  }
0xb: {  	[sflag:s7] =	ssyncset.done $0x0  }
0xc: {  	[sflag:s7] =	ssyncadd.s32 $0xFFFFD800  }
0xd: {  	[tilespmem:s8], [sflag:$0x1] =	stream.linear.gather [hbm4b:s2+s3], $0x2780, $0x38;
	[tilespmem:$0x5000] =	vst v63  }
0xe: {  	_ =	swait.ge [sflag:s7], $0x2780  }
0xf: {  	[sflag:s7] =	ssyncset.done $0x0  }
0x10: {  	s10 =	simm.s32 $0x0;
	[sflag:s7] =	ssyncadd.s32 $0xFFFFD880  }
.LBB2_2:
0x11: {  	s11 =	sshra.s32 s10, $0x2  }
0x12: {  	v0 =	vld [tilespmem:s11+$0x0];
	_ =	sdelay $0x4  }
0x13: {  	(xrf1) =	vunique.msk.u32 $0xffff, v0;
	_ =	sdelay $0xd  }
0x14: {  	_, v1, vm0 =	vpop (xrf1);
	_ =	sdelay $0x3  }
0x15: {  	v1 =	vcvt.s32.f32 v1;
	_ =	sdelay $0x1  }
0x16: {  	[tilespmem:v0+s8+$0x0] =	vst.idx.add.f32.msk vm0, v1  }
0x17: {  	v0 =	vld [tilespmem:s11+$0x10];
	_ =	sdelay $0x4  }
0x18: {  	(xrf1) =	vunique.msk.u32 $0xffff, v0;
	_ =	sdelay $0xd  }
0x19: {  	_, v1, vm0 =	vpop (xrf1);
	_ =	sdelay $0x3  }
0x1a: {  	v1 =	vcvt.s32.f32 v1;
	_ =	sdelay $0x1  }
0x1b: {  	[tilespmem:v0+s8+$0x0] =	vst.idx.add.f32.msk vm0, v1  }
0x1c: {  	v0 =	vld [tilespmem:s11+$0x20];
	_ =	sdelay $0x4  }
0x1d: {  	(xrf1) =	vunique.msk.u32 $0xffff, v0;
	_ =	sdelay $0xd  }
0x1e: {  	_, v1, vm0 =	vpop (xrf1);
	_ =	sdelay $0x3  }
0x1f: {  	v1 =	vcvt.s32.f32 v1;
	_ =	sdelay $0x1  }
0x20: {  	[tilespmem:v0+s8+$0x0] =	vst.idx.add.f32.msk vm0, v1  }
0x21: {  	v0 =	vld [tilespmem:s11+$0x30];
	_ =	sdelay $0x4  }
0x22: {  	(xrf1) =	vunique.msk.u32 $0xffff, v0;
	_ =	sdelay $0xd  }
0x23: {  	_, v1, vm0 =	vpop (xrf1);
	_ =	sdelay $0x3  }
0x24: {  	v1 =	vcvt.s32.f32 v1;
	_ =	sdelay $0x1  }
0x25: {  	[tilespmem:v0+s8+$0x0] =	vst.idx.add.f32.msk vm0, v1  }
0x26: {  	v0 =	vld [tilespmem:s11+$0x40];
	_ =	sdelay $0x4  }
0x27: {  	(xrf1) =	vunique.msk.u32 $0xffff, v0;
	_ =	sdelay $0xd  }
0x28: {  	_, v1, vm0 =	vpop (xrf1);
	_ =	sdelay $0x3  }
0x29: {  	v1 =	vcvt.s32.f32 v1;
	_ =	sdelay $0x1  }
0x2a: {  	[tilespmem:v0+s8+$0x0] =	vst.idx.add.f32.msk vm0, v1  }
0x2b: {  	v0 =	vld [tilespmem:s11+$0x50];
	_ =	sdelay $0x4  }
0x2c: {  	(xrf1) =	vunique.msk.u32 $0xffff, v0;
	_ =	sdelay $0xd  }
0x2d: {  	_, v1, vm0 =	vpop (xrf1);
	_ =	sdelay $0x3  }
0x2e: {  	v1 =	vcvt.s32.f32 v1;
	_ =	sdelay $0x1  }
0x2f: {  	[tilespmem:v0+s8+$0x0] =	vst.idx.add.f32.msk vm0, v1  }
0x30: {  	v0 =	vld [tilespmem:s11+$0x60];
	_ =	sdelay $0x4  }
0x31: {  	(xrf1) =	vunique.msk.u32 $0xffff, v0;
	_ =	sdelay $0xd  }
0x32: {  	_, v1, vm0 =	vpop (xrf1);
	_ =	sdelay $0x3  }
0x33: {  	v1 =	vcvt.s32.f32 v1;
	_ =	sdelay $0x1  }
0x34: {  	[tilespmem:v0+s8+$0x0] =	vst.idx.add.f32.msk vm0, v1  }
0x35: {  	v0 =	vld [tilespmem:s11+$0x70];
	_ =	sdelay $0x4  }
0x36: {  	(xrf1) =	vunique.msk.u32 $0xffff, v0;
	_ =	sdelay $0xd  }
0x37: {  	_, v1, vm0 =	vpop (xrf1)  }
0x38: {  	p0 =	sne.s32 s10, $0x9E00  }
.Ltmp0:
0x39: {  	_ = 	snop;
	(pc) =	sbr.rel @p0 .LBB2_2-.Ltmp0, $3  }
0x3a: {  	_ = 	snop  }
0x3b: {  	v1 =	vcvt.s32.f32 v1;
	_ =	sdelay $0x1  }
0x3c: {  	s10 =	sadd.s32 $0x200, s10;
	[tilespmem:v0+s8+$0x0] =	vst.idx.add.f32.msk vm0, v1  }
0x3d: {  	s9 =	sadd.s32 $0x1, s9  }
0x3e: {  	p0 =	sne.s32 s9, s6  }
.Ltmp1:
0x3f: {  	_ = 	snop;
	(pc) =	sbr.rel @p0 .LBB2_1-.Ltmp1, $4  }
0x40: {  	[hbm4b:s5+s3] =	stream.linear.scatter [tilespmem:s8], [sflag:$0x1], $0x2780, $0x38;
	[tilespmem:$0x5000] =	vst v63  }
0x41: {  	_ =	swait.ge [sflag:s7], $0x2780  }
0x42: {  	[sflag:s7] =	ssyncset.done $0x0  }
0x43: {  	[sflag:s7] =	ssyncadd.s32 $0xFFFFD880  }
0x44: {  	_ =	sfence.sel $0x180000  }
0x45: {  	[bflag:$0x0] =	sbarrier.arrive $0xFFFF  }
0x46: {  	p0 =	sne.s32 s0, $0x0;
	_ =	strace $0x90000047  }
0x47: {  	s0 =	sadd.s32 @!p0 $0x100000, s1;
	[bflag:$0x2] =	sbarrier.arrive $0xFFFF  }
0x48: {  	[sflag:s0] =	ssyncadd.tile.s32 @!p0 $0x1;
	_ =	shalt  }
.Lfunc_end2:
_tile_overlayer_lowered:
.L_overlay_start_2:
0x49: {  	(tag) =	ssettag $0x2  }
0x4a: {  	s0 =	rddreg [dreg:$0x0];
	s2 =	stileid.u32  }
0x4b: {  	s1 =	rddreg [dreg:$0x1];
	p0 =	sne.s32 s2, $0x0  }
0x4c: {  	s3 =	rddreg [dreg:$0x2];
	[bflag:$0x3] =	sbarrier.arrive $0xFFFF;
	s2 =	simm.s32 @!p0 $0x1C01  }
0x4d: {  	[timem:s3], [sflag:s2] =	dma.local @!p0 [hbm:s0], s1  }
0x4e: {  	s0 =	simm.s32 @!p0 $0x1  }
0x4f: {  	_ =	swait.ge @!p0 [sflag:s0], s1  }
0x50: {  	s1 =	ssub.s32 @!p0 $0x0, s1;
	[sflag:s0] =	ssyncset.done @!p0 $0x0  }
0x51: {  	[sflag:s0] =	ssyncadd.s32 @!p0 s1  }
0x52: {  	[bflag:$0x3] =	sbarrier.arrive $0xFFFF  }
0x53: {  	_ =	shalt  }

</sc_bundles>
